<compile_context>
chip_gen: v7x
topology: tpu7x:2x2x1
jax: 0.10.2.dev20260603
libtpu: 0.0.44.dev20260713+nightly
codegen_flags: <defaults>
</compile_context>

<pallas_src>
import functools

import jax
import jax.numpy as jnp
from jax import lax
from jax.experimental import pallas as pl
from jax.experimental.pallas import tpu as pltpu
from jax.experimental.pallas import tpu_sc as plsc

N_NODES = 10000
D_FEAT = 128
N_EDGES = 320000

NC = 2
NS = 16
CHUNK = 120
DEPTH = 3
E_DIR = 2 * N_EDGES
N_CHUNKS = 168
EDGES_PER_WORKER = N_CHUNKS * CHUNK
TOTAL_CHUNKS = NC * NS * N_CHUNKS + 1
E_PAD = TOTAL_CHUNKS * CHUNK
N_ACC = 10112


def _sc_accumulate(x, edges, zeros):
    mesh = plsc.VectorSubcoreMesh(core_axis_name="c", subcore_axis_name="s")

    @functools.partial(
        pl.kernel,
        mesh=mesh,
        out_type=[
            jax.ShapeDtypeStruct((N_NODES, D_FEAT), jnp.float32),
            jax.ShapeDtypeStruct((N_NODES, D_FEAT), jnp.float32),
        ],
        scratch_types=[
            [pltpu.VMEM((2, CHUNK), jnp.int32) for _ in range(2 * DEPTH)],
            [pltpu.VMEM((CHUNK, D_FEAT), jnp.float32) for _ in range(DEPTH)],
            pltpu.VMEM_SHARED((N_ACC, D_FEAT), jnp.float32),
            [pltpu.SemaphoreType.DMA for _ in range(2 * DEPTH)],
            [pltpu.SemaphoreType.DMA for _ in range(DEPTH)],
            [pltpu.SemaphoreType.DMA for _ in range(DEPTH)],
        ],
    )
    def k(x_hbm, e_hbm, zeros_hbm, p0_hbm, p1_hbm,
          idx, rows, acc, sem_i, sem_g, sem_s):
        c = lax.axis_index("c")
        s = lax.axis_index("s")
        w = c * NS + s
        g_base = w * N_CHUNKS

        zrows = N_ACC // NS
        pltpu.sync_copy(zeros_hbm.at[pl.ds(s * zrows, zrows)],
                        acc.at[pl.ds(s * zrows, zrows)])
        plsc.subcore_barrier()

        IDEPTH = 2 * DEPTH


        def idx_copy(g, p):
            return pltpu.make_async_copy(e_hbm.at[g_base + g], idx[p],
                                         sem_i[p])

        def gather(p):
            b = p % DEPTH
            return pltpu.make_async_copy(
                x_hbm.at[idx[p].at[0]], rows[b], sem_g[b])

        class scatter:
            def __init__(self, p):
                self.b = p % DEPTH
                self.dst = acc.at[idx[p].at[1]]

            def start(self):
                pltpu.async_copy(rows[self.b], self.dst, sem_s[self.b],
                                 add=True)

            def wait(self):
                pltpu.make_async_copy(rows[self.b], self.dst,
                                      sem_s[self.b]).wait()

        pltpu.sync_copy(e_hbm.at[g_base], idx[0])
        gather(0).start()
        idx_copy(1, 1).start()
        idx_copy(2, 2).start()
        idx_copy(3, 3).start()
        idx_copy(1, 1).wait()
        gather(1).start()

        def step(g, p, first=False, last=False):
            gather(p).wait()
            scatter(p).start()
            if not first:
                scatter((p - 1) % IDEPTH).wait()
            idx_copy(g + 2, (p + 2) % IDEPTH).wait()
            gather((p + 2) % IDEPTH).start()
            if not last:
                idx_copy(g + 4, (p + 4) % IDEPTH).start()

        def body(t, carry):
            g0 = IDEPTH * t + DEPTH
            for kk in range(IDEPTH):
                step(g0 + kk, (DEPTH + kk) % IDEPTH)
            return carry

        for g in range(DEPTH):
            step(g, g, first=(g == 0))
        lax.fori_loop(0, (N_CHUNKS - 2 * DEPTH) // IDEPTH, body, 0)
        gt = N_CHUNKS - DEPTH
        gather(gt % IDEPTH).wait()
        scatter(gt % IDEPTH).start()
        scatter((gt - 1) % IDEPTH).wait()
        idx_copy(gt + 2, (gt + 2) % IDEPTH).wait()
        gather((gt + 2) % IDEPTH).start()
        for g in (gt + 1, gt + 2):
            gather(g % IDEPTH).wait()
            scatter(g % IDEPTH).start()
            scatter((g - 1) % IDEPTH).wait()
        scatter((N_CHUNKS - 1) % IDEPTH).wait()
        idx_copy(N_CHUNKS, N_CHUNKS % IDEPTH).wait()
        plsc.subcore_barrier()

        orows = 624
        tail_base = orows * NS
        tail = N_NODES - tail_base

        @pl.when(c == 0)
        def _():
            pltpu.sync_copy(acc.at[pl.ds(s * orows, orows)],
                            p0_hbm.at[pl.ds(s * orows, orows)])

            @pl.when(s == 0)
            def _():
                pltpu.sync_copy(acc.at[pl.ds(tail_base, tail)],
                                p0_hbm.at[pl.ds(tail_base, tail)])

        @pl.when(c == 1)
        def _():
            pltpu.sync_copy(acc.at[pl.ds(s * orows, orows)],
                            p1_hbm.at[pl.ds(s * orows, orows)])

            @pl.when(s == 0)
            def _():
                pltpu.sync_copy(acc.at[pl.ds(tail_base, tail)],
                                p1_hbm.at[pl.ds(tail_base, tail)])

    return k(x, edges, zeros)


def _combine(x, p0, p1):
    def body(x_ref, a_ref, b_ref, o_ref):
        o_ref[...] = x_ref[...] + a_ref[...] + b_ref[...]

    blk = 2000
    return pl.pallas_call(
        body,
        grid=(N_NODES // blk,),
        in_specs=[pl.BlockSpec((blk, D_FEAT), lambda g: (g, 0))] * 3,
        out_specs=pl.BlockSpec((blk, D_FEAT), lambda g: (g, 0)),
        out_shape=jax.ShapeDtypeStruct((N_NODES, D_FEAT), jnp.float32),
    )(x, p0, p1)


def kernel(x, edge_index):
    ei = edge_index.astype(jnp.int32)
    i, j = ei[:, 0], ei[:, 1]
    src = jnp.concatenate([j, i])
    dst = jnp.concatenate([i, j])
    pad = E_PAD - E_DIR
    pidx = jnp.arange(pad, dtype=jnp.int32)
    src = jnp.concatenate([src, pidx % N_NODES])
    dst = jnp.concatenate([dst, N_NODES + pidx % (N_ACC - N_NODES)])
    edges = jnp.stack(
        [src.reshape(-1, CHUNK), dst.reshape(-1, CHUNK)], axis=1)
    zeros = jnp.zeros((N_ACC, D_FEAT), jnp.float32)
    p0, p1 = _sc_accumulate(x, edges, zeros)
    return _combine(x, p0, p1)

# --- scband reference (transcript-rebuilt; emitter-appended) ---
"""Pipeline reference for scband-graph-neural-network-64647847739561 (READ-ONLY COPY).

The authoritative reference and input builder live on the scoring server;
editing this copy changes nothing except your own understanding.
"""

import jax, jax.numpy as jnp
import numpy as np

N_NODES = 10000
N_EDGES = 320000
D_FEAT = 128


def setup_inputs(seed: int = 0) -> dict:
    key = jax.random.key(seed)
    k_x, k_e = jax.random.split(key)
    x = jax.random.normal(k_x, (N_NODES, D_FEAT), dtype=jnp.float32)
    edge_index = jax.random.randint(k_e, (N_EDGES, 2), 0, N_NODES, dtype=jnp.int64)
    return {"x": x, "edge_index": edge_index}


def reference(x, edge_index):
    # Original torch loop: for each edge (i, j), node i aggregates x[j] and node j
    # aggregates x[i] (symmetric / undirected aggregation). We concretize the
    # abstract hooks as: aggregate = sum over gathered neighbor features,
    # combine = aggregated + self feature.
    i = edge_index[:, 0]
    j = edge_index[:, 1]
    agg = jnp.zeros_like(x)
    agg = agg.at[i].add(jnp.take(x, j, axis=0))  # scatter-add of gathered neighbors
    agg = agg.at[j].add(jnp.take(x, i, axis=0))
    out = agg + x  # combine(aggregated, self)
    return out

if __name__ == "__main__":
    import jax
    _d = setup_inputs()
    print(jax.jit(kernel)(*tuple(_d.values())))

</pallas_src>

<mosaic_0001>
#map = affine_map<(d0, d1) -> (0, 0)>
#map1 = affine_map<(d0, d1) -> (0, 0, 0)>
module attributes {stable_mosaic.version = 14 : i64} {
  func.func @k(%arg0: i32, %arg1: i32, %arg2: memref<10000x128xf32, #tpu.memory_space<hbm>>, %arg3: memref<5377x2x120xi32, #tpu.memory_space<hbm>>, %arg4: memref<10112x128xf32, #tpu.memory_space<hbm>>, %arg5: memref<10000x128xf32, #tpu.memory_space<hbm>>, %arg6: memref<10000x128xf32, #tpu.memory_space<hbm>>, %arg7: memref<2x120xi32, #tpu.memory_space<vmem>>, %arg8: memref<2x120xi32, #tpu.memory_space<vmem>>, %arg9: memref<2x120xi32, #tpu.memory_space<vmem>>, %arg10: memref<2x120xi32, #tpu.memory_space<vmem>>, %arg11: memref<2x120xi32, #tpu.memory_space<vmem>>, %arg12: memref<2x120xi32, #tpu.memory_space<vmem>>, %arg13: memref<120x128xf32, #tpu.memory_space<vmem>>, %arg14: memref<120x128xf32, #tpu.memory_space<vmem>>, %arg15: memref<120x128xf32, #tpu.memory_space<vmem>>, %arg16: memref<10112x128xf32, #tpu.memory_space<vmem_shared>>, %arg17: memref<!tpu.dma_semaphore, #tpu.memory_space<semaphore_mem>>, %arg18: memref<!tpu.dma_semaphore, #tpu.memory_space<semaphore_mem>>, %arg19: memref<!tpu.dma_semaphore, #tpu.memory_space<semaphore_mem>>, %arg20: memref<!tpu.dma_semaphore, #tpu.memory_space<semaphore_mem>>, %arg21: memref<!tpu.dma_semaphore, #tpu.memory_space<semaphore_mem>>, %arg22: memref<!tpu.dma_semaphore, #tpu.memory_space<semaphore_mem>>, %arg23: memref<!tpu.dma_semaphore, #tpu.memory_space<semaphore_mem>>, %arg24: memref<!tpu.dma_semaphore, #tpu.memory_space<semaphore_mem>>, %arg25: memref<!tpu.dma_semaphore, #tpu.memory_space<semaphore_mem>>, %arg26: memref<!tpu.dma_semaphore, #tpu.memory_space<semaphore_mem>>, %arg27: memref<!tpu.dma_semaphore, #tpu.memory_space<semaphore_mem>>, %arg28: memref<!tpu.dma_semaphore, #tpu.memory_space<semaphore_mem>>) attributes {dimension_semantics = [#tpu.dimension_semantics<core_parallel>, #tpu.dimension_semantics<subcore_parallel>], iteration_bounds = array<i64: 2, 16>, scalar_prefetch = 0 : i64, scratch_operands = 22 : i64, tpu.core_type = #tpu.core_type<sc_vector_subcore>, window_params = [{transform_indices = #map}, {transform_indices = #map1}, {transform_indices = #map}, {transform_indices = #map}, {transform_indices = #map}]} {
    %mul3A = arith.constant 16 : i32
    %mul3A_0 = arith.muli %arg0, %mul3A : i32
    %add3A = arith.addi %mul3A_0, %arg1 : i32
    %mul3A_1 = arith.constant 168 : i32
    %mul3A_2 = arith.muli %add3A, %mul3A_1 : i32
    %mul3A_3 = arith.constant 632 : i32
    %mul3A_4 = arith.muli %arg1, %mul3A_3 : i32
    %mul3A_5 = arith.constant 632 : i32
    %mul3A_6 = arith.muli %arg1, %mul3A_5 : i32
    "tpu.region"() ({
      %run_scoped3A = tpu.sem_alloc : memref<!tpu.dma_semaphore, #tpu.memory_space<semaphore_mem>>
      %dma_start3A_306 = arith.constant 0 : i32
      %dma_start3A_307 = tpu.memref_slice %arg16[%mul3A_6, %dma_start3A_306] : memref<10112x128xf32, #tpu.memory_space<vmem_shared>> -> memref<632x128xf32, #tpu.memory_space<vmem_shared>>
      %dma_start3A_308 = arith.constant 0 : i32
      %dma_start3A_309 = tpu.memref_slice %arg4[%mul3A_4, %dma_start3A_308] : memref<10112x128xf32, #tpu.memory_space<hbm>> -> memref<632x128xf32, #tpu.memory_space<hbm>>
      tpu.enqueue_dma source(%dma_start3A_309 : memref<632x128xf32, #tpu.memory_space<hbm>>) target(%dma_start3A_307 : memref<632x128xf32, #tpu.memory_space<vmem_shared>>) target_semaphore(%run_scoped3A : memref<!tpu.dma_semaphore, #tpu.memory_space<semaphore_mem>>)
      %dma_wait3A_310 = arith.constant 0 : i32
      %dma_wait3A_311 = tpu.memref_slice %arg16[%mul3A_6, %dma_wait3A_310] : memref<10112x128xf32, #tpu.memory_space<vmem_shared>> -> memref<632x128xf32, #tpu.memory_space<vmem_shared>>
      %dma_wait3A_312 = arith.constant 0 : i32
      %dma_wait3A_313 = tpu.memref_slice %arg4[%mul3A_4, %dma_wait3A_312] : memref<10112x128xf32, #tpu.memory_space<hbm>> -> memref<632x128xf32, #tpu.memory_space<hbm>>
      tpu.wait_dma2 semaphore(%run_scoped3A : memref<!tpu.dma_semaphore, #tpu.memory_space<semaphore_mem>>) src(%dma_wait3A_313 : memref<632x128xf32, #tpu.memory_space<hbm>>) dst(%dma_wait3A_311 : memref<632x128xf32, #tpu.memory_space<vmem_shared>>)
      tpu.yield
    }) : () -> ()
    %barrier3A = arith.constant 0 : index
    tpu.barrier barrier_id(%barrier3A)
    "tpu.region"() ({
      %run_scoped3A = tpu.sem_alloc : memref<!tpu.dma_semaphore, #tpu.memory_space<semaphore_mem>>
      %dma_start3A_306 = arith.constant 0 : i32
      %dma_start3A_307 = arith.constant 0 : i32
      %dma_start3A_308 = tpu.memref_slice %arg3[%mul3A_2, %dma_start3A_306, %dma_start3A_307] : memref<5377x2x120xi32, #tpu.memory_space<hbm>> -> memref<1x2x120xi32, #tpu.memory_space<hbm>>
      %dma_start3A_309 = tpu.memref_squeeze %dma_start3A_308 : memref<1x2x120xi32, #tpu.memory_space<hbm>> -> memref<2x120xi32, #tpu.memory_space<hbm>>
      %dma_start3A_310 = arith.constant 0 : i32
      %dma_start3A_311 = arith.constant 0 : i32
      %dma_start3A_312 = tpu.memref_slice %arg3[%mul3A_2, %dma_start3A_310, %dma_start3A_311] : memref<5377x2x120xi32, #tpu.memory_space<hbm>> -> memref<1x2x120xi32, #tpu.memory_space<hbm>>
      %dma_start3A_313 = tpu.memref_squeeze %dma_start3A_312 : memref<1x2x120xi32, #tpu.memory_space<hbm>> -> memref<2x120xi32, #tpu.memory_space<hbm>>
      tpu.enqueue_dma source(%dma_start3A_313 : memref<2x120xi32, #tpu.memory_space<hbm>>) target(%arg7 : memref<2x120xi32, #tpu.memory_space<vmem>>) target_semaphore(%run_scoped3A : memref<!tpu.dma_semaphore, #tpu.memory_space<semaphore_mem>>)
      %dma_wait3A_314 = arith.constant 0 : i32
      %dma_wait3A_315 = arith.constant 0 : i32
      %dma_wait3A_316 = tpu.memref_slice %arg3[%mul3A_2, %dma_wait3A_314, %dma_wait3A_315] : memref<5377x2x120xi32, #tpu.memory_space<hbm>> -> memref<1x2x120xi32, #tpu.memory_space<hbm>>
      %dma_wait3A_317 = tpu.memref_squeeze %dma_wait3A_316 : memref<1x2x120xi32, #tpu.memory_space<hbm>> -> memref<2x120xi32, #tpu.memory_space<hbm>>
      %dma_wait3A_318 = arith.constant 0 : i32
      %dma_wait3A_319 = arith.constant 0 : i32
      %dma_wait3A_320 = tpu.memref_slice %arg3[%mul3A_2, %dma_wait3A_318, %dma_wait3A_319] : memref<5377x2x120xi32, #tpu.memory_space<hbm>> -> memref<1x2x120xi32, #tpu.memory_space<hbm>>
      %dma_wait3A_321 = tpu.memref_squeeze %dma_wait3A_320 : memref<1x2x120xi32, #tpu.memory_space<hbm>> -> memref<2x120xi32, #tpu.memory_space<hbm>>
      tpu.wait_dma2 semaphore(%run_scoped3A : memref<!tpu.dma_semaphore, #tpu.memory_space<semaphore_mem>>) src(%dma_wait3A_321 : memref<2x120xi32, #tpu.memory_space<hbm>>) dst(%arg7 : memref<2x120xi32, #tpu.memory_space<vmem>>)
      tpu.yield
    }) : () -> ()
    %dma_start3A = arith.constant 0 : i32
    %dma_start3A_7 = arith.constant 0 : i32
    %dma_start3A_8 = tpu.memref_slice %arg7[%dma_start3A, %dma_start3A_7] : memref<2x120xi32, #tpu.memory_space<vmem>> -> memref<1x120xi32, #tpu.memory_space<vmem>>
    %dma_start3A_9 = tpu.memref_squeeze %dma_start3A_8 : memref<1x120xi32, #tpu.memory_space<vmem>> -> memref<120xi32, #tpu.memory_space<vmem>>
    %dma_start3A_10 = arith.constant 0 : i32
    %dma_start3A_11 = arith.constant 0 : i32
    %dma_start3A_12 = tpu.memref_slice %arg2[%dma_start3A_10, %dma_start3A_11] : memref<10000x128xf32, #tpu.memory_space<hbm>> -> memref<10000x128xf32, #tpu.memory_space<hbm>>
    tpu.enqueue_indirect_dma source(%dma_start3A_12 : memref<10000x128xf32, #tpu.memory_space<hbm>>) target(%arg13 : memref<120x128xf32, #tpu.memory_space<vmem>>) offsets(%dma_start3A_9 : memref<120xi32, #tpu.memory_space<vmem>>) semaphore(%arg23 : memref<!tpu.dma_semaphore, #tpu.memory_space<semaphore_mem>>)
    %add3A_13 = arith.constant 1 : i32
    %add3A_14 = arith.addi %mul3A_2, %add3A_13 : i32
    %dma_start3A_15 = arith.constant 0 : i32
    %dma_start3A_16 = arith.constant 0 : i32
    %dma_start3A_17 = tpu.memref_slice %arg3[%add3A_14, %dma_start3A_15, %dma_start3A_16] : memref<5377x2x120xi32, #tpu.memory_space<hbm>> -> memref<1x2x120xi32, #tpu.memory_space<hbm>>
    %dma_start3A_18 = tpu.memref_squeeze %dma_start3A_17 : memref<1x2x120xi32, #tpu.memory_space<hbm>> -> memref<2x120xi32, #tpu.memory_space<hbm>>
    %dma_start3A_19 = arith.constant 0 : i32
    %dma_start3A_20 = arith.constant 0 : i32
    %dma_start3A_21 = tpu.memref_slice %arg3[%add3A_14, %dma_start3A_19, %dma_start3A_20] : memref<5377x2x120xi32, #tpu.memory_space<hbm>> -> memref<1x2x120xi32, #tpu.memory_space<hbm>>
    %dma_start3A_22 = tpu.memref_squeeze %dma_start3A_21 : memref<1x2x120xi32, #tpu.memory_space<hbm>> -> memref<2x120xi32, #tpu.memory_space<hbm>>
    tpu.enqueue_dma source(%dma_start3A_22 : memref<2x120xi32, #tpu.memory_space<hbm>>) target(%arg8 : memref<2x120xi32, #tpu.memory_space<vmem>>) target_semaphore(%arg18 : memref<!tpu.dma_semaphore, #tpu.memory_space<semaphore_mem>>)
    %add3A_23 = arith.constant 2 : i32
    %add3A_24 = arith.addi %mul3A_2, %add3A_23 : i32
    %dma_start3A_25 = arith.constant 0 : i32
    %dma_start3A_26 = arith.constant 0 : i32
    %dma_start3A_27 = tpu.memref_slice %arg3[%add3A_24, %dma_start3A_25, %dma_start3A_26] : memref<5377x2x120xi32, #tpu.memory_space<hbm>> -> memref<1x2x120xi32, #tpu.memory_space<hbm>>
    %dma_start3A_28 = tpu.memref_squeeze %dma_start3A_27 : memref<1x2x120xi32, #tpu.memory_space<hbm>> -> memref<2x120xi32, #tpu.memory_space<hbm>>
    %dma_start3A_29 = arith.constant 0 : i32
    %dma_start3A_30 = arith.constant 0 : i32
    %dma_start3A_31 = tpu.memref_slice %arg3[%add3A_24, %dma_start3A_29, %dma_start3A_30] : memref<5377x2x120xi32, #tpu.memory_space<hbm>> -> memref<1x2x120xi32, #tpu.memory_space<hbm>>
    %dma_start3A_32 = tpu.memref_squeeze %dma_start3A_31 : memref<1x2x120xi32, #tpu.memory_space<hbm>> -> memref<2x120xi32, #tpu.memory_space<hbm>>
    tpu.enqueue_dma source(%dma_start3A_32 : memref<2x120xi32, #tpu.memory_space<hbm>>) target(%arg9 : memref<2x120xi32, #tpu.memory_space<vmem>>) target_semaphore(%arg19 : memref<!tpu.dma_semaphore, #tpu.memory_space<semaphore_mem>>)
    %add3A_33 = arith.constant 3 : i32
    %add3A_34 = arith.addi %mul3A_2, %add3A_33 : i32
    %dma_start3A_35 = arith.constant 0 : i32
    %dma_start3A_36 = arith.constant 0 : i32
    %dma_start3A_37 = tpu.memref_slice %arg3[%add3A_34, %dma_start3A_35, %dma_start3A_36] : memref<5377x2x120xi32, #tpu.memory_space<hbm>> -> memref<1x2x120xi32, #tpu.memory_space<hbm>>
    %dma_start3A_38 = tpu.memref_squeeze %dma_start3A_37 : memref<1x2x120xi32, #tpu.memory_space<hbm>> -> memref<2x120xi32, #tpu.memory_space<hbm>>
    %dma_start3A_39 = arith.constant 0 : i32
    %dma_start3A_40 = arith.constant 0 : i32
    %dma_start3A_41 = tpu.memref_slice %arg3[%add3A_34, %dma_start3A_39, %dma_start3A_40] : memref<5377x2x120xi32, #tpu.memory_space<hbm>> -> memref<1x2x120xi32, #tpu.memory_space<hbm>>
    %dma_start3A_42 = tpu.memref_squeeze %dma_start3A_41 : memref<1x2x120xi32, #tpu.memory_space<hbm>> -> memref<2x120xi32, #tpu.memory_space<hbm>>
    tpu.enqueue_dma source(%dma_start3A_42 : memref<2x120xi32, #tpu.memory_space<hbm>>) target(%arg10 : memref<2x120xi32, #tpu.memory_space<vmem>>) target_semaphore(%arg20 : memref<!tpu.dma_semaphore, #tpu.memory_space<semaphore_mem>>)
    %add3A_43 = arith.constant 1 : i32
    %add3A_44 = arith.addi %mul3A_2, %add3A_43 : i32
    %dma_wait3A = arith.constant 0 : i32
    %dma_wait3A_45 = arith.constant 0 : i32
    %dma_wait3A_46 = tpu.memref_slice %arg3[%add3A_44, %dma_wait3A, %dma_wait3A_45] : memref<5377x2x120xi32, #tpu.memory_space<hbm>> -> memref<1x2x120xi32, #tpu.memory_space<hbm>>
    %dma_wait3A_47 = tpu.memref_squeeze %dma_wait3A_46 : memref<1x2x120xi32, #tpu.memory_space<hbm>> -> memref<2x120xi32, #tpu.memory_space<hbm>>
    %dma_wait3A_48 = arith.constant 0 : i32
    %dma_wait3A_49 = arith.constant 0 : i32
    %dma_wait3A_50 = tpu.memref_slice %arg3[%add3A_44, %dma_wait3A_48, %dma_wait3A_49] : memref<5377x2x120xi32, #tpu.memory_space<hbm>> -> memref<1x2x120xi32, #tpu.memory_space<hbm>>
    %dma_wait3A_51 = tpu.memref_squeeze %dma_wait3A_50 : memref<1x2x120xi32, #tpu.memory_space<hbm>> -> memref<2x120xi32, #tpu.memory_space<hbm>>
    tpu.wait_dma2 semaphore(%arg18 : memref<!tpu.dma_semaphore, #tpu.memory_space<semaphore_mem>>) src(%dma_wait3A_51 : memref<2x120xi32, #tpu.memory_space<hbm>>) dst(%arg8 : memref<2x120xi32, #tpu.memory_space<vmem>>)
    %dma_start3A_52 = arith.constant 0 : i32
    %dma_start3A_53 = arith.constant 0 : i32
    %dma_start3A_54 = tpu.memref_slice %arg8[%dma_start3A_52, %dma_start3A_53] : memref<2x120xi32, #tpu.memory_space<vmem>> -> memref<1x120xi32, #tpu.memory_space<vmem>>
    %dma_start3A_55 = tpu.memref_squeeze %dma_start3A_54 : memref<1x120xi32, #tpu.memory_space<vmem>> -> memref<120xi32, #tpu.memory_space<vmem>>
    %dma_start3A_56 = arith.constant 0 : i32
    %dma_start3A_57 = arith.constant 0 : i32
    %dma_start3A_58 = tpu.memref_slice %arg2[%dma_start3A_56, %dma_start3A_57] : memref<10000x128xf32, #tpu.memory_space<hbm>> -> memref<10000x128xf32, #tpu.memory_space<hbm>>
    tpu.enqueue_indirect_dma source(%dma_start3A_58 : memref<10000x128xf32, #tpu.memory_space<hbm>>) target(%arg14 : memref<120x128xf32, #tpu.memory_space<vmem>>) offsets(%dma_start3A_55 : memref<120xi32, #tpu.memory_space<vmem>>) semaphore(%arg24 : memref<!tpu.dma_semaphore, #tpu.memory_space<semaphore_mem>>)
    %dma_wait3A_59 = arith.constant 0 : i32
    %dma_wait3A_60 = arith.constant 0 : i32
    %dma_wait3A_61 = tpu.memref_slice %arg7[%dma_wait3A_59, %dma_wait3A_60] : memref<2x120xi32, #tpu.memory_space<vmem>> -> memref<1x120xi32, #tpu.memory_space<vmem>>
    %dma_wait3A_62 = tpu.memref_squeeze %dma_wait3A_61 : memref<1x120xi32, #tpu.memory_space<vmem>> -> memref<120xi32, #tpu.memory_space<vmem>>
    %dma_wait3A_63 = arith.constant 0 : i32
    %dma_wait3A_64 = arith.constant 0 : i32
    %dma_wait3A_65 = tpu.memref_slice %arg2[%dma_wait3A_63, %dma_wait3A_64] : memref<10000x128xf32, #tpu.memory_space<hbm>> -> memref<10000x128xf32, #tpu.memory_space<hbm>>
    tpu.wait_indirect_dma semaphore(%arg23 : memref<!tpu.dma_semaphore, #tpu.memory_space<semaphore_mem>>) src(%dma_wait3A_65 : memref<10000x128xf32, #tpu.memory_space<hbm>>) dst(%arg13 : memref<120x128xf32, #tpu.memory_space<vmem>>)
    %dma_start3A_66 = arith.constant 1 : i32
    %dma_start3A_67 = arith.constant 0 : i32
    %dma_start3A_68 = tpu.memref_slice %arg7[%dma_start3A_66, %dma_start3A_67] : memref<2x120xi32, #tpu.memory_space<vmem>> -> memref<1x120xi32, #tpu.memory_space<vmem>>
    %dma_start3A_69 = tpu.memref_squeeze %dma_start3A_68 : memref<1x120xi32, #tpu.memory_space<vmem>> -> memref<120xi32, #tpu.memory_space<vmem>>
    %dma_start3A_70 = arith.constant 0 : i32
    %dma_start3A_71 = arith.constant 0 : i32
    %dma_start3A_72 = tpu.memref_slice %arg16[%dma_start3A_70, %dma_start3A_71] : memref<10112x128xf32, #tpu.memory_space<vmem_shared>> -> memref<10112x128xf32, #tpu.memory_space<vmem_shared>>
    tpu.enqueue_indirect_dma source(%arg13 : memref<120x128xf32, #tpu.memory_space<vmem>>) target(%dma_start3A_72 : memref<10112x128xf32, #tpu.memory_space<vmem_shared>>) offsets(%dma_start3A_69 : memref<120xi32, #tpu.memory_space<vmem>>) semaphore(%arg26 : memref<!tpu.dma_semaphore, #tpu.memory_space<semaphore_mem>>) {add = true}
    %add3A_73 = arith.constant 2 : i32
    %add3A_74 = arith.addi %mul3A_2, %add3A_73 : i32
    %dma_wait3A_75 = arith.constant 0 : i32
    %dma_wait3A_76 = arith.constant 0 : i32
    %dma_wait3A_77 = tpu.memref_slice %arg3[%add3A_74, %dma_wait3A_75, %dma_wait3A_76] : memref<5377x2x120xi32, #tpu.memory_space<hbm>> -> memref<1x2x120xi32, #tpu.memory_space<hbm>>
    %dma_wait3A_78 = tpu.memref_squeeze %dma_wait3A_77 : memref<1x2x120xi32, #tpu.memory_space<hbm>> -> memref<2x120xi32, #tpu.memory_space<hbm>>
    %dma_wait3A_79 = arith.constant 0 : i32
    %dma_wait3A_80 = arith.constant 0 : i32
    %dma_wait3A_81 = tpu.memref_slice %arg3[%add3A_74, %dma_wait3A_79, %dma_wait3A_80] : memref<5377x2x120xi32, #tpu.memory_space<hbm>> -> memref<1x2x120xi32, #tpu.memory_space<hbm>>
    %dma_wait3A_82 = tpu.memref_squeeze %dma_wait3A_81 : memref<1x2x120xi32, #tpu.memory_space<hbm>> -> memref<2x120xi32, #tpu.memory_space<hbm>>
    tpu.wait_dma2 semaphore(%arg19 : memref<!tpu.dma_semaphore, #tpu.memory_space<semaphore_mem>>) src(%dma_wait3A_82 : memref<2x120xi32, #tpu.memory_space<hbm>>) dst(%arg9 : memref<2x120xi32, #tpu.memory_space<vmem>>)
    %dma_start3A_83 = arith.constant 0 : i32
    %dma_start3A_84 = arith.constant 0 : i32
    %dma_start3A_85 = tpu.memref_slice %arg9[%dma_start3A_83, %dma_start3A_84] : memref<2x120xi32, #tpu.memory_space<vmem>> -> memref<1x120xi32, #tpu.memory_space<vmem>>
    %dma_start3A_86 = tpu.memref_squeeze %dma_start3A_85 : memref<1x120xi32, #tpu.memory_space<vmem>> -> memref<120xi32, #tpu.memory_space<vmem>>
    %dma_start3A_87 = arith.constant 0 : i32
    %dma_start3A_88 = arith.constant 0 : i32
    %dma_start3A_89 = tpu.memref_slice %arg2[%dma_start3A_87, %dma_start3A_88] : memref<10000x128xf32, #tpu.memory_space<hbm>> -> memref<10000x128xf32, #tpu.memory_space<hbm>>
    tpu.enqueue_indirect_dma source(%dma_start3A_89 : memref<10000x128xf32, #tpu.memory_space<hbm>>) target(%arg15 : memref<120x128xf32, #tpu.memory_space<vmem>>) offsets(%dma_start3A_86 : memref<120xi32, #tpu.memory_space<vmem>>) semaphore(%arg25 : memref<!tpu.dma_semaphore, #tpu.memory_space<semaphore_mem>>)
    %add3A_90 = arith.constant 4 : i32
    %add3A_91 = arith.addi %mul3A_2, %add3A_90 : i32
    %dma_start3A_92 = arith.constant 0 : i32
    %dma_start3A_93 = arith.constant 0 : i32
    %dma_start3A_94 = tpu.memref_slice %arg3[%add3A_91, %dma_start3A_92, %dma_start3A_93] : memref<5377x2x120xi32, #tpu.memory_space<hbm>> -> memref<1x2x120xi32, #tpu.memory_space<hbm>>
    %dma_start3A_95 = tpu.memref_squeeze %dma_start3A_94 : memref<1x2x120xi32, #tpu.memory_space<hbm>> -> memref<2x120xi32, #tpu.memory_space<hbm>>
    %dma_start3A_96 = arith.constant 0 : i32
    %dma_start3A_97 = arith.constant 0 : i32
    %dma_start3A_98 = tpu.memref_slice %arg3[%add3A_91, %dma_start3A_96, %dma_start3A_97] : memref<5377x2x120xi32, #tpu.memory_space<hbm>> -> memref<1x2x120xi32, #tpu.memory_space<hbm>>
    %dma_start3A_99 = tpu.memref_squeeze %dma_start3A_98 : memref<1x2x120xi32, #tpu.memory_space<hbm>> -> memref<2x120xi32, #tpu.memory_space<hbm>>
    tpu.enqueue_dma source(%dma_start3A_99 : memref<2x120xi32, #tpu.memory_space<hbm>>) target(%arg11 : memref<2x120xi32, #tpu.memory_space<vmem>>) target_semaphore(%arg21 : memref<!tpu.dma_semaphore, #tpu.memory_space<semaphore_mem>>)
    %dma_wait3A_100 = arith.constant 0 : i32
    %dma_wait3A_101 = arith.constant 0 : i32
    %dma_wait3A_102 = tpu.memref_slice %arg8[%dma_wait3A_100, %dma_wait3A_101] : memref<2x120xi32, #tpu.memory_space<vmem>> -> memref<1x120xi32, #tpu.memory_space<vmem>>
    %dma_wait3A_103 = tpu.memref_squeeze %dma_wait3A_102 : memref<1x120xi32, #tpu.memory_space<vmem>> -> memref<120xi32, #tpu.memory_space<vmem>>
    %dma_wait3A_104 = arith.constant 0 : i32
    %dma_wait3A_105 = arith.constant 0 : i32
    %dma_wait3A_106 = tpu.memref_slice %arg2[%dma_wait3A_104, %dma_wait3A_105] : memref<10000x128xf32, #tpu.memory_space<hbm>> -> memref<10000x128xf32, #tpu.memory_space<hbm>>
    tpu.wait_indirect_dma semaphore(%arg24 : memref<!tpu.dma_semaphore, #tpu.memory_space<semaphore_mem>>) src(%dma_wait3A_106 : memref<10000x128xf32, #tpu.memory_space<hbm>>) dst(%arg14 : memref<120x128xf32, #tpu.memory_space<vmem>>)
    %dma_start3A_107 = arith.constant 1 : i32
    %dma_start3A_108 = arith.constant 0 : i32
    %dma_start3A_109 = tpu.memref_slice %arg8[%dma_start3A_107, %dma_start3A_108] : memref<2x120xi32, #tpu.memory_space<vmem>> -> memref<1x120xi32, #tpu.memory_space<vmem>>
    %dma_start3A_110 = tpu.memref_squeeze %dma_start3A_109 : memref<1x120xi32, #tpu.memory_space<vmem>> -> memref<120xi32, #tpu.memory_space<vmem>>
    %dma_start3A_111 = arith.constant 0 : i32
    %dma_start3A_112 = arith.constant 0 : i32
    %dma_start3A_113 = tpu.memref_slice %arg16[%dma_start3A_111, %dma_start3A_112] : memref<10112x128xf32, #tpu.memory_space<vmem_shared>> -> memref<10112x128xf32, #tpu.memory_space<vmem_shared>>
    tpu.enqueue_indirect_dma source(%arg14 : memref<120x128xf32, #tpu.memory_space<vmem>>) target(%dma_start3A_113 : memref<10112x128xf32, #tpu.memory_space<vmem_shared>>) offsets(%dma_start3A_110 : memref<120xi32, #tpu.memory_space<vmem>>) semaphore(%arg27 : memref<!tpu.dma_semaphore, #tpu.memory_space<semaphore_mem>>) {add = true}
    %dma_wait3A_114 = arith.constant 1 : i32
    %dma_wait3A_115 = arith.constant 0 : i32
    %dma_wait3A_116 = tpu.memref_slice %arg7[%dma_wait3A_114, %dma_wait3A_115] : memref<2x120xi32, #tpu.memory_space<vmem>> -> memref<1x120xi32, #tpu.memory_space<vmem>>
    %dma_wait3A_117 = tpu.memref_squeeze %dma_wait3A_116 : memref<1x120xi32, #tpu.memory_space<vmem>> -> memref<120xi32, #tpu.memory_space<vmem>>
    %dma_wait3A_118 = arith.constant 0 : i32
    %dma_wait3A_119 = arith.constant 0 : i32
    %dma_wait3A_120 = tpu.memref_slice %arg16[%dma_wait3A_118, %dma_wait3A_119] : memref<10112x128xf32, #tpu.memory_space<vmem_shared>> -> memref<10112x128xf32, #tpu.memory_space<vmem_shared>>
    tpu.wait_indirect_dma semaphore(%arg26 : memref<!tpu.dma_semaphore, #tpu.memory_space<semaphore_mem>>) src(%arg13 : memref<120x128xf32, #tpu.memory_space<vmem>>) dst(%dma_wait3A_120 : memref<10112x128xf32, #tpu.memory_space<vmem_shared>>)
    %add3A_121 = arith.constant 3 : i32
    %add3A_122 = arith.addi %mul3A_2, %add3A_121 : i32
    %dma_wait3A_123 = arith.constant 0 : i32
    %dma_wait3A_124 = arith.constant 0 : i32
    %dma_wait3A_125 = tpu.memref_slice %arg3[%add3A_122, %dma_wait3A_123, %dma_wait3A_124] : memref<5377x2x120xi32, #tpu.memory_space<hbm>> -> memref<1x2x120xi32, #tpu.memory_space<hbm>>
    %dma_wait3A_126 = tpu.memref_squeeze %dma_wait3A_125 : memref<1x2x120xi32, #tpu.memory_space<hbm>> -> memref<2x120xi32, #tpu.memory_space<hbm>>
    %dma_wait3A_127 = arith.constant 0 : i32
    %dma_wait3A_128 = arith.constant 0 : i32
    %dma_wait3A_129 = tpu.memref_slice %arg3[%add3A_122, %dma_wait3A_127, %dma_wait3A_128] : memref<5377x2x120xi32, #tpu.memory_space<hbm>> -> memref<1x2x120xi32, #tpu.memory_space<hbm>>
    %dma_wait3A_130 = tpu.memref_squeeze %dma_wait3A_129 : memref<1x2x120xi32, #tpu.memory_space<hbm>> -> memref<2x120xi32, #tpu.memory_space<hbm>>
    tpu.wait_dma2 semaphore(%arg20 : memref<!tpu.dma_semaphore, #tpu.memory_space<semaphore_mem>>) src(%dma_wait3A_130 : memref<2x120xi32, #tpu.memory_space<hbm>>) dst(%arg10 : memref<2x120xi32, #tpu.memory_space<vmem>>)
    %dma_start3A_131 = arith.constant 0 : i32
    %dma_start3A_132 = arith.constant 0 : i32
    %dma_start3A_133 = tpu.memref_slice %arg10[%dma_start3A_131, %dma_start3A_132] : memref<2x120xi32, #tpu.memory_space<vmem>> -> memref<1x120xi32, #tpu.memory_space<vmem>>
    %dma_start3A_134 = tpu.memref_squeeze %dma_start3A_133 : memref<1x120xi32, #tpu.memory_space<vmem>> -> memref<120xi32, #tpu.memory_space<vmem>>
    %dma_start3A_135 = arith.constant 0 : i32
    %dma_start3A_136 = arith.constant 0 : i32
    %dma_start3A_137 = tpu.memref_slice %arg2[%dma_start3A_135, %dma_start3A_136] : memref<10000x128xf32, #tpu.memory_space<hbm>> -> memref<10000x128xf32, #tpu.memory_space<hbm>>
    tpu.enqueue_indirect_dma source(%dma_start3A_137 : memref<10000x128xf32, #tpu.memory_space<hbm>>) target(%arg13 : memref<120x128xf32, #tpu.memory_space<vmem>>) offsets(%dma_start3A_134 : memref<120xi32, #tpu.memory_space<vmem>>) semaphore(%arg23 : memref<!tpu.dma_semaphore, #tpu.memory_space<semaphore_mem>>)
    %add3A_138 = arith.constant 5 : i32
    %add3A_139 = arith.addi %mul3A_2, %add3A_138 : i32
    %dma_start3A_140 = arith.constant 0 : i32
    %dma_start3A_141 = arith.constant 0 : i32
    %dma_start3A_142 = tpu.memref_slice %arg3[%add3A_139, %dma_start3A_140, %dma_start3A_141] : memref<5377x2x120xi32, #tpu.memory_space<hbm>> -> memref<1x2x120xi32, #tpu.memory_space<hbm>>
    %dma_start3A_143 = tpu.memref_squeeze %dma_start3A_142 : memref<1x2x120xi32, #tpu.memory_space<hbm>> -> memref<2x120xi32, #tpu.memory_space<hbm>>
    %dma_start3A_144 = arith.constant 0 : i32
    %dma_start3A_145 = arith.constant 0 : i32
    %dma_start3A_146 = tpu.memref_slice %arg3[%add3A_139, %dma_start3A_144, %dma_start3A_145] : memref<5377x2x120xi32, #tpu.memory_space<hbm>> -> memref<1x2x120xi32, #tpu.memory_space<hbm>>
    %dma_start3A_147 = tpu.memref_squeeze %dma_start3A_146 : memref<1x2x120xi32, #tpu.memory_space<hbm>> -> memref<2x120xi32, #tpu.memory_space<hbm>>
    tpu.enqueue_dma source(%dma_start3A_147 : memref<2x120xi32, #tpu.memory_space<hbm>>) target(%arg12 : memref<2x120xi32, #tpu.memory_space<vmem>>) target_semaphore(%arg22 : memref<!tpu.dma_semaphore, #tpu.memory_space<semaphore_mem>>)
    %dma_wait3A_148 = arith.constant 0 : i32
    %dma_wait3A_149 = arith.constant 0 : i32
    %dma_wait3A_150 = tpu.memref_slice %arg9[%dma_wait3A_148, %dma_wait3A_149] : memref<2x120xi32, #tpu.memory_space<vmem>> -> memref<1x120xi32, #tpu.memory_space<vmem>>
    %dma_wait3A_151 = tpu.memref_squeeze %dma_wait3A_150 : memref<1x120xi32, #tpu.memory_space<vmem>> -> memref<120xi32, #tpu.memory_space<vmem>>
    %dma_wait3A_152 = arith.constant 0 : i32
    %dma_wait3A_153 = arith.constant 0 : i32
    %dma_wait3A_154 = tpu.memref_slice %arg2[%dma_wait3A_152, %dma_wait3A_153] : memref<10000x128xf32, #tpu.memory_space<hbm>> -> memref<10000x128xf32, #tpu.memory_space<hbm>>
    tpu.wait_indirect_dma semaphore(%arg25 : memref<!tpu.dma_semaphore, #tpu.memory_space<semaphore_mem>>) src(%dma_wait3A_154 : memref<10000x128xf32, #tpu.memory_space<hbm>>) dst(%arg15 : memref<120x128xf32, #tpu.memory_space<vmem>>)
    %dma_start3A_155 = arith.constant 1 : i32
    %dma_start3A_156 = arith.constant 0 : i32
    %dma_start3A_157 = tpu.memref_slice %arg9[%dma_start3A_155, %dma_start3A_156] : memref<2x120xi32, #tpu.memory_space<vmem>> -> memref<1x120xi32, #tpu.memory_space<vmem>>
    %dma_start3A_158 = tpu.memref_squeeze %dma_start3A_157 : memref<1x120xi32, #tpu.memory_space<vmem>> -> memref<120xi32, #tpu.memory_space<vmem>>
    %dma_start3A_159 = arith.constant 0 : i32
    %dma_start3A_160 = arith.constant 0 : i32
    %dma_start3A_161 = tpu.memref_slice %arg16[%dma_start3A_159, %dma_start3A_160] : memref<10112x128xf32, #tpu.memory_space<vmem_shared>> -> memref<10112x128xf32, #tpu.memory_space<vmem_shared>>
    tpu.enqueue_indirect_dma source(%arg15 : memref<120x128xf32, #tpu.memory_space<vmem>>) target(%dma_start3A_161 : memref<10112x128xf32, #tpu.memory_space<vmem_shared>>) offsets(%dma_start3A_158 : memref<120xi32, #tpu.memory_space<vmem>>) semaphore(%arg28 : memref<!tpu.dma_semaphore, #tpu.memory_space<semaphore_mem>>) {add = true}
    %dma_wait3A_162 = arith.constant 1 : i32
    %dma_wait3A_163 = arith.constant 0 : i32
    %dma_wait3A_164 = tpu.memref_slice %arg8[%dma_wait3A_162, %dma_wait3A_163] : memref<2x120xi32, #tpu.memory_space<vmem>> -> memref<1x120xi32, #tpu.memory_space<vmem>>
    %dma_wait3A_165 = tpu.memref_squeeze %dma_wait3A_164 : memref<1x120xi32, #tpu.memory_space<vmem>> -> memref<120xi32, #tpu.memory_space<vmem>>
    %dma_wait3A_166 = arith.constant 0 : i32
    %dma_wait3A_167 = arith.constant 0 : i32
    %dma_wait3A_168 = tpu.memref_slice %arg16[%dma_wait3A_166, %dma_wait3A_167] : memref<10112x128xf32, #tpu.memory_space<vmem_shared>> -> memref<10112x128xf32, #tpu.memory_space<vmem_shared>>
    tpu.wait_indirect_dma semaphore(%arg27 : memref<!tpu.dma_semaphore, #tpu.memory_space<semaphore_mem>>) src(%arg14 : memref<120x128xf32, #tpu.memory_space<vmem>>) dst(%dma_wait3A_168 : memref<10112x128xf32, #tpu.memory_space<vmem_shared>>)
    %add3A_169 = arith.constant 4 : i32
    %add3A_170 = arith.addi %mul3A_2, %add3A_169 : i32
    %dma_wait3A_171 = arith.constant 0 : i32
    %dma_wait3A_172 = arith.constant 0 : i32
    %dma_wait3A_173 = tpu.memref_slice %arg3[%add3A_170, %dma_wait3A_171, %dma_wait3A_172] : memref<5377x2x120xi32, #tpu.memory_space<hbm>> -> memref<1x2x120xi32, #tpu.memory_space<hbm>>
    %dma_wait3A_174 = tpu.memref_squeeze %dma_wait3A_173 : memref<1x2x120xi32, #tpu.memory_space<hbm>> -> memref<2x120xi32, #tpu.memory_space<hbm>>
    %dma_wait3A_175 = arith.constant 0 : i32
    %dma_wait3A_176 = arith.constant 0 : i32
    %dma_wait3A_177 = tpu.memref_slice %arg3[%add3A_170, %dma_wait3A_175, %dma_wait3A_176] : memref<5377x2x120xi32, #tpu.memory_space<hbm>> -> memref<1x2x120xi32, #tpu.memory_space<hbm>>
    %dma_wait3A_178 = tpu.memref_squeeze %dma_wait3A_177 : memref<1x2x120xi32, #tpu.memory_space<hbm>> -> memref<2x120xi32, #tpu.memory_space<hbm>>
    tpu.wait_dma2 semaphore(%arg21 : memref<!tpu.dma_semaphore, #tpu.memory_space<semaphore_mem>>) src(%dma_wait3A_178 : memref<2x120xi32, #tpu.memory_space<hbm>>) dst(%arg11 : memref<2x120xi32, #tpu.memory_space<vmem>>)
    %dma_start3A_179 = arith.constant 0 : i32
    %dma_start3A_180 = arith.constant 0 : i32
    %dma_start3A_181 = tpu.memref_slice %arg11[%dma_start3A_179, %dma_start3A_180] : memref<2x120xi32, #tpu.memory_space<vmem>> -> memref<1x120xi32, #tpu.memory_space<vmem>>
    %dma_start3A_182 = tpu.memref_squeeze %dma_start3A_181 : memref<1x120xi32, #tpu.memory_space<vmem>> -> memref<120xi32, #tpu.memory_space<vmem>>
    %dma_start3A_183 = arith.constant 0 : i32
    %dma_start3A_184 = arith.constant 0 : i32
    %dma_start3A_185 = tpu.memref_slice %arg2[%dma_start3A_183, %dma_start3A_184] : memref<10000x128xf32, #tpu.memory_space<hbm>> -> memref<10000x128xf32, #tpu.memory_space<hbm>>
    tpu.enqueue_indirect_dma source(%dma_start3A_185 : memref<10000x128xf32, #tpu.memory_space<hbm>>) target(%arg14 : memref<120x128xf32, #tpu.memory_space<vmem>>) offsets(%dma_start3A_182 : memref<120xi32, #tpu.memory_space<vmem>>) semaphore(%arg24 : memref<!tpu.dma_semaphore, #tpu.memory_space<semaphore_mem>>)
    %add3A_186 = arith.constant 6 : i32
    %add3A_187 = arith.addi %mul3A_2, %add3A_186 : i32
    %dma_start3A_188 = arith.constant 0 : i32
    %dma_start3A_189 = arith.constant 0 : i32
    %dma_start3A_190 = tpu.memref_slice %arg3[%add3A_187, %dma_start3A_188, %dma_start3A_189] : memref<5377x2x120xi32, #tpu.memory_space<hbm>> -> memref<1x2x120xi32, #tpu.memory_space<hbm>>
    %dma_start3A_191 = tpu.memref_squeeze %dma_start3A_190 : memref<1x2x120xi32, #tpu.memory_space<hbm>> -> memref<2x120xi32, #tpu.memory_space<hbm>>
    %dma_start3A_192 = arith.constant 0 : i32
    %dma_start3A_193 = arith.constant 0 : i32
    %dma_start3A_194 = tpu.memref_slice %arg3[%add3A_187, %dma_start3A_192, %dma_start3A_193] : memref<5377x2x120xi32, #tpu.memory_space<hbm>> -> memref<1x2x120xi32, #tpu.memory_space<hbm>>
    %dma_start3A_195 = tpu.memref_squeeze %dma_start3A_194 : memref<1x2x120xi32, #tpu.memory_space<hbm>> -> memref<2x120xi32, #tpu.memory_space<hbm>>
    tpu.enqueue_dma source(%dma_start3A_195 : memref<2x120xi32, #tpu.memory_space<hbm>>) target(%arg7 : memref<2x120xi32, #tpu.memory_space<vmem>>) target_semaphore(%arg17 : memref<!tpu.dma_semaphore, #tpu.memory_space<semaphore_mem>>)
    %scan3A = arith.constant 0 : i32
    %scan3A_196 = arith.constant 0 : i32
    %scan3A_197 = arith.constant 27 : i32
    %scan3A_198 = arith.addi %scan3A_196, %scan3A_197 : i32
    %scan3A_199 = arith.constant 1 : i32
    scf.for %scan3A_306 = %scan3A_196 to %scan3A_198 step %scan3A_199  : i32 {
      %mul3A_307 = arith.constant 6 : i32
      %mul3A_308 = arith.muli %mul3A_307, %scan3A_306 : i32
      %add3A_309 = arith.constant 3 : i32
      %add3A_310 = arith.addi %mul3A_308, %add3A_309 : i32
      %add3A_311 = arith.constant 0 : i32
      %add3A_312 = arith.addi %add3A_310, %add3A_311 : i32
      %dma_wait3A_313 = arith.constant 0 : i32
      %dma_wait3A_314 = arith.constant 0 : i32
      %dma_wait3A_315 = tpu.memref_slice %arg10[%dma_wait3A_313, %dma_wait3A_314] : memref<2x120xi32, #tpu.memory_space<vmem>> -> memref<1x120xi32, #tpu.memory_space<vmem>>
      %dma_wait3A_316 = tpu.memref_squeeze %dma_wait3A_315 : memref<1x120xi32, #tpu.memory_space<vmem>> -> memref<120xi32, #tpu.memory_space<vmem>>
      %dma_wait3A_317 = arith.constant 0 : i32
      %dma_wait3A_318 = arith.constant 0 : i32
      %dma_wait3A_319 = tpu.memref_slice %arg2[%dma_wait3A_317, %dma_wait3A_318] : memref<10000x128xf32, #tpu.memory_space<hbm>> -> memref<10000x128xf32, #tpu.memory_space<hbm>>
      tpu.wait_indirect_dma semaphore(%arg23 : memref<!tpu.dma_semaphore, #tpu.memory_space<semaphore_mem>>) src(%dma_wait3A_319 : memref<10000x128xf32, #tpu.memory_space<hbm>>) dst(%arg13 : memref<120x128xf32, #tpu.memory_space<vmem>>)
      %dma_start3A_320 = arith.constant 1 : i32
      %dma_start3A_321 = arith.constant 0 : i32
      %dma_start3A_322 = tpu.memref_slice %arg10[%dma_start3A_320, %dma_start3A_321] : memref<2x120xi32, #tpu.memory_space<vmem>> -> memref<1x120xi32, #tpu.memory_space<vmem>>
      %dma_start3A_323 = tpu.memref_squeeze %dma_start3A_322 : memref<1x120xi32, #tpu.memory_space<vmem>> -> memref<120xi32, #tpu.memory_space<vmem>>
      %dma_start3A_324 = arith.constant 0 : i32
      %dma_start3A_325 = arith.constant 0 : i32
      %dma_start3A_326 = tpu.memref_slice %arg16[%dma_start3A_324, %dma_start3A_325] : memref<10112x128xf32, #tpu.memory_space<vmem_shared>> -> memref<10112x128xf32, #tpu.memory_space<vmem_shared>>
      tpu.enqueue_indirect_dma source(%arg13 : memref<120x128xf32, #tpu.memory_space<vmem>>) target(%dma_start3A_326 : memref<10112x128xf32, #tpu.memory_space<vmem_shared>>) offsets(%dma_start3A_323 : memref<120xi32, #tpu.memory_space<vmem>>) semaphore(%arg26 : memref<!tpu.dma_semaphore, #tpu.memory_space<semaphore_mem>>) {add = true}
      %dma_wait3A_327 = arith.constant 1 : i32
      %dma_wait3A_328 = arith.constant 0 : i32
      %dma_wait3A_329 = tpu.memref_slice %arg9[%dma_wait3A_327, %dma_wait3A_328] : memref<2x120xi32, #tpu.memory_space<vmem>> -> memref<1x120xi32, #tpu.memory_space<vmem>>
      %dma_wait3A_330 = tpu.memref_squeeze %dma_wait3A_329 : memref<1x120xi32, #tpu.memory_space<vmem>> -> memref<120xi32, #tpu.memory_space<vmem>>
      %dma_wait3A_331 = arith.constant 0 : i32
      %dma_wait3A_332 = arith.constant 0 : i32
      %dma_wait3A_333 = tpu.memref_slice %arg16[%dma_wait3A_331, %dma_wait3A_332] : memref<10112x128xf32, #tpu.memory_space<vmem_shared>> -> memref<10112x128xf32, #tpu.memory_space<vmem_shared>>
      tpu.wait_indirect_dma semaphore(%arg28 : memref<!tpu.dma_semaphore, #tpu.memory_space<semaphore_mem>>) src(%arg15 : memref<120x128xf32, #tpu.memory_space<vmem>>) dst(%dma_wait3A_333 : memref<10112x128xf32, #tpu.memory_space<vmem_shared>>)
      %add3A_334 = arith.constant 2 : i32
      %add3A_335 = arith.addi %add3A_312, %add3A_334 : i32
      %add3A_336 = arith.addi %mul3A_2, %add3A_335 : i32
      %dma_wait3A_337 = arith.constant 0 : i32
      %dma_wait3A_338 = arith.constant 0 : i32
      %dma_wait3A_339 = tpu.memref_slice %arg3[%add3A_336, %dma_wait3A_337, %dma_wait3A_338] : memref<5377x2x120xi32, #tpu.memory_space<hbm>> -> memref<1x2x120xi32, #tpu.memory_space<hbm>>
      %dma_wait3A_340 = tpu.memref_squeeze %dma_wait3A_339 : memref<1x2x120xi32, #tpu.memory_space<hbm>> -> memref<2x120xi32, #tpu.memory_space<hbm>>
      %dma_wait3A_341 = arith.constant 0 : i32
      %dma_wait3A_342 = arith.constant 0 : i32
      %dma_wait3A_343 = tpu.memref_slice %arg3[%add3A_336, %dma_wait3A_341, %dma_wait3A_342] : memref<5377x2x120xi32, #tpu.memory_space<hbm>> -> memref<1x2x120xi32, #tpu.memory_space<hbm>>
      %dma_wait3A_344 = tpu.memref_squeeze %dma_wait3A_343 : memref<1x2x120xi32, #tpu.memory_space<hbm>> -> memref<2x120xi32, #tpu.memory_space<hbm>>
      tpu.wait_dma2 semaphore(%arg22 : memref<!tpu.dma_semaphore, #tpu.memory_space<semaphore_mem>>) src(%dma_wait3A_344 : memref<2x120xi32, #tpu.memory_space<hbm>>) dst(%arg12 : memref<2x120xi32, #tpu.memory_space<vmem>>)
      %dma_start3A_345 = arith.constant 0 : i32
      %dma_start3A_346 = arith.constant 0 : i32
      %dma_start3A_347 = tpu.memref_slice %arg12[%dma_start3A_345, %dma_start3A_346] : memref<2x120xi32, #tpu.memory_space<vmem>> -> memref<1x120xi32, #tpu.memory_space<vmem>>
      %dma_start3A_348 = tpu.memref_squeeze %dma_start3A_347 : memref<1x120xi32, #tpu.memory_space<vmem>> -> memref<120xi32, #tpu.memory_space<vmem>>
      %dma_start3A_349 = arith.constant 0 : i32
      %dma_start3A_350 = arith.constant 0 : i32
      %dma_start3A_351 = tpu.memref_slice %arg2[%dma_start3A_349, %dma_start3A_350] : memref<10000x128xf32, #tpu.memory_space<hbm>> -> memref<10000x128xf32, #tpu.memory_space<hbm>>
      tpu.enqueue_indirect_dma source(%dma_start3A_351 : memref<10000x128xf32, #tpu.memory_space<hbm>>) target(%arg15 : memref<120x128xf32, #tpu.memory_space<vmem>>) offsets(%dma_start3A_348 : memref<120xi32, #tpu.memory_space<vmem>>) semaphore(%arg25 : memref<!tpu.dma_semaphore, #tpu.memory_space<semaphore_mem>>)
      %add3A_352 = arith.constant 4 : i32
      %add3A_353 = arith.addi %add3A_312, %add3A_352 : i32
      %add3A_354 = arith.addi %mul3A_2, %add3A_353 : i32
      %dma_start3A_355 = arith.constant 0 : i32
      %dma_start3A_356 = arith.constant 0 : i32
      %dma_start3A_357 = tpu.memref_slice %arg3[%add3A_354, %dma_start3A_355, %dma_start3A_356] : memref<5377x2x120xi32, #tpu.memory_space<hbm>> -> memref<1x2x120xi32, #tpu.memory_space<hbm>>
      %dma_start3A_358 = tpu.memref_squeeze %dma_start3A_357 : memref<1x2x120xi32, #tpu.memory_space<hbm>> -> memref<2x120xi32, #tpu.memory_space<hbm>>
      %dma_start3A_359 = arith.constant 0 : i32
      %dma_start3A_360 = arith.constant 0 : i32
      %dma_start3A_361 = tpu.memref_slice %arg3[%add3A_354, %dma_start3A_359, %dma_start3A_360] : memref<5377x2x120xi32, #tpu.memory_space<hbm>> -> memref<1x2x120xi32, #tpu.memory_space<hbm>>
      %dma_start3A_362 = tpu.memref_squeeze %dma_start3A_361 : memref<1x2x120xi32, #tpu.memory_space<hbm>> -> memref<2x120xi32, #tpu.memory_space<hbm>>
      tpu.enqueue_dma source(%dma_start3A_362 : memref<2x120xi32, #tpu.memory_space<hbm>>) target(%arg8 : memref<2x120xi32, #tpu.memory_space<vmem>>) target_semaphore(%arg18 : memref<!tpu.dma_semaphore, #tpu.memory_space<semaphore_mem>>)
      %add3A_363 = arith.constant 1 : i32
      %add3A_364 = arith.addi %add3A_310, %add3A_363 : i32
      %dma_wait3A_365 = arith.constant 0 : i32
      %dma_wait3A_366 = arith.constant 0 : i32
      %dma_wait3A_367 = tpu.memref_slice %arg11[%dma_wait3A_365, %dma_wait3A_366] : memref<2x120xi32, #tpu.memory_space<vmem>> -> memref<1x120xi32, #tpu.memory_space<vmem>>
      %dma_wait3A_368 = tpu.memref_squeeze %dma_wait3A_367 : memref<1x120xi32, #tpu.memory_space<vmem>> -> memref<120xi32, #tpu.memory_space<vmem>>
      %dma_wait3A_369 = arith.constant 0 : i32
      %dma_wait3A_370 = arith.constant 0 : i32
      %dma_wait3A_371 = tpu.memref_slice %arg2[%dma_wait3A_369, %dma_wait3A_370] : memref<10000x128xf32, #tpu.memory_space<hbm>> -> memref<10000x128xf32, #tpu.memory_space<hbm>>
      tpu.wait_indirect_dma semaphore(%arg24 : memref<!tpu.dma_semaphore, #tpu.memory_space<semaphore_mem>>) src(%dma_wait3A_371 : memref<10000x128xf32, #tpu.memory_space<hbm>>) dst(%arg14 : memref<120x128xf32, #tpu.memory_space<vmem>>)
      %dma_start3A_372 = arith.constant 1 : i32
      %dma_start3A_373 = arith.constant 0 : i32
      %dma_start3A_374 = tpu.memref_slice %arg11[%dma_start3A_372, %dma_start3A_373] : memref<2x120xi32, #tpu.memory_space<vmem>> -> memref<1x120xi32, #tpu.memory_space<vmem>>
      %dma_start3A_375 = tpu.memref_squeeze %dma_start3A_374 : memref<1x120xi32, #tpu.memory_space<vmem>> -> memref<120xi32, #tpu.memory_space<vmem>>
      %dma_start3A_376 = arith.constant 0 : i32
      %dma_start3A_377 = arith.constant 0 : i32
      %dma_start3A_378 = tpu.memref_slice %arg16[%dma_start3A_376, %dma_start3A_377] : memref<10112x128xf32, #tpu.memory_space<vmem_shared>> -> memref<10112x128xf32, #tpu.memory_space<vmem_shared>>
      tpu.enqueue_indirect_dma source(%arg14 : memref<120x128xf32, #tpu.memory_space<vmem>>) target(%dma_start3A_378 : memref<10112x128xf32, #tpu.memory_space<vmem_shared>>) offsets(%dma_start3A_375 : memref<120xi32, #tpu.memory_space<vmem>>) semaphore(%arg27 : memref<!tpu.dma_semaphore, #tpu.memory_space<semaphore_mem>>) {add = true}
      %dma_wait3A_379 = arith.constant 1 : i32
      %dma_wait3A_380 = arith.constant 0 : i32
      %dma_wait3A_381 = tpu.memref_slice %arg10[%dma_wait3A_379, %dma_wait3A_380] : memref<2x120xi32, #tpu.memory_space<vmem>> -> memref<1x120xi32, #tpu.memory_space<vmem>>
      %dma_wait3A_382 = tpu.memref_squeeze %dma_wait3A_381 : memref<1x120xi32, #tpu.memory_space<vmem>> -> memref<120xi32, #tpu.memory_space<vmem>>
      %dma_wait3A_383 = arith.constant 0 : i32
      %dma_wait3A_384 = arith.constant 0 : i32
      %dma_wait3A_385 = tpu.memref_slice %arg16[%dma_wait3A_383, %dma_wait3A_384] : memref<10112x128xf32, #tpu.memory_space<vmem_shared>> -> memref<10112x128xf32, #tpu.memory_space<vmem_shared>>
      tpu.wait_indirect_dma semaphore(%arg26 : memref<!tpu.dma_semaphore, #tpu.memory_space<semaphore_mem>>) src(%arg13 : memref<120x128xf32, #tpu.memory_space<vmem>>) dst(%dma_wait3A_385 : memref<10112x128xf32, #tpu.memory_space<vmem_shared>>)
      %add3A_386 = arith.constant 2 : i32
      %add3A_387 = arith.addi %add3A_364, %add3A_386 : i32
      %add3A_388 = arith.addi %mul3A_2, %add3A_387 : i32
      %dma_wait3A_389 = arith.constant 0 : i32
      %dma_wait3A_390 = arith.constant 0 : i32
      %dma_wait3A_391 = tpu.memref_slice %arg3[%add3A_388, %dma_wait3A_389, %dma_wait3A_390] : memref<5377x2x120xi32, #tpu.memory_space<hbm>> -> memref<1x2x120xi32, #tpu.memory_space<hbm>>
      %dma_wait3A_392 = tpu.memref_squeeze %dma_wait3A_391 : memref<1x2x120xi32, #tpu.memory_space<hbm>> -> memref<2x120xi32, #tpu.memory_space<hbm>>
      %dma_wait3A_393 = arith.constant 0 : i32
      %dma_wait3A_394 = arith.constant 0 : i32
      %dma_wait3A_395 = tpu.memref_slice %arg3[%add3A_388, %dma_wait3A_393, %dma_wait3A_394] : memref<5377x2x120xi32, #tpu.memory_space<hbm>> -> memref<1x2x120xi32, #tpu.memory_space<hbm>>
      %dma_wait3A_396 = tpu.memref_squeeze %dma_wait3A_395 : memref<1x2x120xi32, #tpu.memory_space<hbm>> -> memref<2x120xi32, #tpu.memory_space<hbm>>
      tpu.wait_dma2 semaphore(%arg17 : memref<!tpu.dma_semaphore, #tpu.memory_space<semaphore_mem>>) src(%dma_wait3A_396 : memref<2x120xi32, #tpu.memory_space<hbm>>) dst(%arg7 : memref<2x120xi32, #tpu.memory_space<vmem>>)
      %dma_start3A_397 = arith.constant 0 : i32
      %dma_start3A_398 = arith.constant 0 : i32
      %dma_start3A_399 = tpu.memref_slice %arg7[%dma_start3A_397, %dma_start3A_398] : memref<2x120xi32, #tpu.memory_space<vmem>> -> memref<1x120xi32, #tpu.memory_space<vmem>>
      %dma_start3A_400 = tpu.memref_squeeze %dma_start3A_399 : memref<1x120xi32, #tpu.memory_space<vmem>> -> memref<120xi32, #tpu.memory_space<vmem>>
      %dma_start3A_401 = arith.constant 0 : i32
      %dma_start3A_402 = arith.constant 0 : i32
      %dma_start3A_403 = tpu.memref_slice %arg2[%dma_start3A_401, %dma_start3A_402] : memref<10000x128xf32, #tpu.memory_space<hbm>> -> memref<10000x128xf32, #tpu.memory_space<hbm>>
      tpu.enqueue_indirect_dma source(%dma_start3A_403 : memref<10000x128xf32, #tpu.memory_space<hbm>>) target(%arg13 : memref<120x128xf32, #tpu.memory_space<vmem>>) offsets(%dma_start3A_400 : memref<120xi32, #tpu.memory_space<vmem>>) semaphore(%arg23 : memref<!tpu.dma_semaphore, #tpu.memory_space<semaphore_mem>>)
      %add3A_404 = arith.constant 4 : i32
      %add3A_405 = arith.addi %add3A_364, %add3A_404 : i32
      %add3A_406 = arith.addi %mul3A_2, %add3A_405 : i32
      %dma_start3A_407 = arith.constant 0 : i32
      %dma_start3A_408 = arith.constant 0 : i32
      %dma_start3A_409 = tpu.memref_slice %arg3[%add3A_406, %dma_start3A_407, %dma_start3A_408] : memref<5377x2x120xi32, #tpu.memory_space<hbm>> -> memref<1x2x120xi32, #tpu.memory_space<hbm>>
      %dma_start3A_410 = tpu.memref_squeeze %dma_start3A_409 : memref<1x2x120xi32, #tpu.memory_space<hbm>> -> memref<2x120xi32, #tpu.memory_space<hbm>>
      %dma_start3A_411 = arith.constant 0 : i32
      %dma_start3A_412 = arith.constant 0 : i32
      %dma_start3A_413 = tpu.memref_slice %arg3[%add3A_406, %dma_start3A_411, %dma_start3A_412] : memref<5377x2x120xi32, #tpu.memory_space<hbm>> -> memref<1x2x120xi32, #tpu.memory_space<hbm>>
      %dma_start3A_414 = tpu.memref_squeeze %dma_start3A_413 : memref<1x2x120xi32, #tpu.memory_space<hbm>> -> memref<2x120xi32, #tpu.memory_space<hbm>>
      tpu.enqueue_dma source(%dma_start3A_414 : memref<2x120xi32, #tpu.memory_space<hbm>>) target(%arg9 : memref<2x120xi32, #tpu.memory_space<vmem>>) target_semaphore(%arg19 : memref<!tpu.dma_semaphore, #tpu.memory_space<semaphore_mem>>)
      %add3A_415 = arith.constant 2 : i32
      %add3A_416 = arith.addi %add3A_310, %add3A_415 : i32
      %dma_wait3A_417 = arith.constant 0 : i32
      %dma_wait3A_418 = arith.constant 0 : i32
      %dma_wait3A_419 = tpu.memref_slice %arg12[%dma_wait3A_417, %dma_wait3A_418] : memref<2x120xi32, #tpu.memory_space<vmem>> -> memref<1x120xi32, #tpu.memory_space<vmem>>
      %dma_wait3A_420 = tpu.memref_squeeze %dma_wait3A_419 : memref<1x120xi32, #tpu.memory_space<vmem>> -> memref<120xi32, #tpu.memory_space<vmem>>
      %dma_wait3A_421 = arith.constant 0 : i32
      %dma_wait3A_422 = arith.constant 0 : i32
      %dma_wait3A_423 = tpu.memref_slice %arg2[%dma_wait3A_421, %dma_wait3A_422] : memref<10000x128xf32, #tpu.memory_space<hbm>> -> memref<10000x128xf32, #tpu.memory_space<hbm>>
      tpu.wait_indirect_dma semaphore(%arg25 : memref<!tpu.dma_semaphore, #tpu.memory_space<semaphore_mem>>) src(%dma_wait3A_423 : memref<10000x128xf32, #tpu.memory_space<hbm>>) dst(%arg15 : memref<120x128xf32, #tpu.memory_space<vmem>>)
      %dma_start3A_424 = arith.constant 1 : i32
      %dma_start3A_425 = arith.constant 0 : i32
      %dma_start3A_426 = tpu.memref_slice %arg12[%dma_start3A_424, %dma_start3A_425] : memref<2x120xi32, #tpu.memory_space<vmem>> -> memref<1x120xi32, #tpu.memory_space<vmem>>
      %dma_start3A_427 = tpu.memref_squeeze %dma_start3A_426 : memref<1x120xi32, #tpu.memory_space<vmem>> -> memref<120xi32, #tpu.memory_space<vmem>>
      %dma_start3A_428 = arith.constant 0 : i32
      %dma_start3A_429 = arith.constant 0 : i32
      %dma_start3A_430 = tpu.memref_slice %arg16[%dma_start3A_428, %dma_start3A_429] : memref<10112x128xf32, #tpu.memory_space<vmem_shared>> -> memref<10112x128xf32, #tpu.memory_space<vmem_shared>>
      tpu.enqueue_indirect_dma source(%arg15 : memref<120x128xf32, #tpu.memory_space<vmem>>) target(%dma_start3A_430 : memref<10112x128xf32, #tpu.memory_space<vmem_shared>>) offsets(%dma_start3A_427 : memref<120xi32, #tpu.memory_space<vmem>>) semaphore(%arg28 : memref<!tpu.dma_semaphore, #tpu.memory_space<semaphore_mem>>) {add = true}
      %dma_wait3A_431 = arith.constant 1 : i32
      %dma_wait3A_432 = arith.constant 0 : i32
      %dma_wait3A_433 = tpu.memref_slice %arg11[%dma_wait3A_431, %dma_wait3A_432] : memref<2x120xi32, #tpu.memory_space<vmem>> -> memref<1x120xi32, #tpu.memory_space<vmem>>
      %dma_wait3A_434 = tpu.memref_squeeze %dma_wait3A_433 : memref<1x120xi32, #tpu.memory_space<vmem>> -> memref<120xi32, #tpu.memory_space<vmem>>
      %dma_wait3A_435 = arith.constant 0 : i32
      %dma_wait3A_436 = arith.constant 0 : i32
      %dma_wait3A_437 = tpu.memref_slice %arg16[%dma_wait3A_435, %dma_wait3A_436] : memref<10112x128xf32, #tpu.memory_space<vmem_shared>> -> memref<10112x128xf32, #tpu.memory_space<vmem_shared>>
      tpu.wait_indirect_dma semaphore(%arg27 : memref<!tpu.dma_semaphore, #tpu.memory_space<semaphore_mem>>) src(%arg14 : memref<120x128xf32, #tpu.memory_space<vmem>>) dst(%dma_wait3A_437 : memref<10112x128xf32, #tpu.memory_space<vmem_shared>>)
      %add3A_438 = arith.constant 2 : i32
      %add3A_439 = arith.addi %add3A_416, %add3A_438 : i32
      %add3A_440 = arith.addi %mul3A_2, %add3A_439 : i32
      %dma_wait3A_441 = arith.constant 0 : i32
      %dma_wait3A_442 = arith.constant 0 : i32
      %dma_wait3A_443 = tpu.memref_slice %arg3[%add3A_440, %dma_wait3A_441, %dma_wait3A_442] : memref<5377x2x120xi32, #tpu.memory_space<hbm>> -> memref<1x2x120xi32, #tpu.memory_space<hbm>>
      %dma_wait3A_444 = tpu.memref_squeeze %dma_wait3A_443 : memref<1x2x120xi32, #tpu.memory_space<hbm>> -> memref<2x120xi32, #tpu.memory_space<hbm>>
      %dma_wait3A_445 = arith.constant 0 : i32
      %dma_wait3A_446 = arith.constant 0 : i32
      %dma_wait3A_447 = tpu.memref_slice %arg3[%add3A_440, %dma_wait3A_445, %dma_wait3A_446] : memref<5377x2x120xi32, #tpu.memory_space<hbm>> -> memref<1x2x120xi32, #tpu.memory_space<hbm>>
      %dma_wait3A_448 = tpu.memref_squeeze %dma_wait3A_447 : memref<1x2x120xi32, #tpu.memory_space<hbm>> -> memref<2x120xi32, #tpu.memory_space<hbm>>
      tpu.wait_dma2 semaphore(%arg18 : memref<!tpu.dma_semaphore, #tpu.memory_space<semaphore_mem>>) src(%dma_wait3A_448 : memref<2x120xi32, #tpu.memory_space<hbm>>) dst(%arg8 : memref<2x120xi32, #tpu.memory_space<vmem>>)
      %dma_start3A_449 = arith.constant 0 : i32
      %dma_start3A_450 = arith.constant 0 : i32
      %dma_start3A_451 = tpu.memref_slice %arg8[%dma_start3A_449, %dma_start3A_450] : memref<2x120xi32, #tpu.memory_space<vmem>> -> memref<1x120xi32, #tpu.memory_space<vmem>>
      %dma_start3A_452 = tpu.memref_squeeze %dma_start3A_451 : memref<1x120xi32, #tpu.memory_space<vmem>> -> memref<120xi32, #tpu.memory_space<vmem>>
      %dma_start3A_453 = arith.constant 0 : i32
      %dma_start3A_454 = arith.constant 0 : i32
      %dma_start3A_455 = tpu.memref_slice %arg2[%dma_start3A_453, %dma_start3A_454] : memref<10000x128xf32, #tpu.memory_space<hbm>> -> memref<10000x128xf32, #tpu.memory_space<hbm>>
      tpu.enqueue_indirect_dma source(%dma_start3A_455 : memref<10000x128xf32, #tpu.memory_space<hbm>>) target(%arg14 : memref<120x128xf32, #tpu.memory_space<vmem>>) offsets(%dma_start3A_452 : memref<120xi32, #tpu.memory_space<vmem>>) semaphore(%arg24 : memref<!tpu.dma_semaphore, #tpu.memory_space<semaphore_mem>>)
      %add3A_456 = arith.constant 4 : i32
      %add3A_457 = arith.addi %add3A_416, %add3A_456 : i32
      %add3A_458 = arith.addi %mul3A_2, %add3A_457 : i32
      %dma_start3A_459 = arith.constant 0 : i32
      %dma_start3A_460 = arith.constant 0 : i32
      %dma_start3A_461 = tpu.memref_slice %arg3[%add3A_458, %dma_start3A_459, %dma_start3A_460] : memref<5377x2x120xi32, #tpu.memory_space<hbm>> -> memref<1x2x120xi32, #tpu.memory_space<hbm>>
      %dma_start3A_462 = tpu.memref_squeeze %dma_start3A_461 : memref<1x2x120xi32, #tpu.memory_space<hbm>> -> memref<2x120xi32, #tpu.memory_space<hbm>>
      %dma_start3A_463 = arith.constant 0 : i32
      %dma_start3A_464 = arith.constant 0 : i32
      %dma_start3A_465 = tpu.memref_slice %arg3[%add3A_458, %dma_start3A_463, %dma_start3A_464] : memref<5377x2x120xi32, #tpu.memory_space<hbm>> -> memref<1x2x120xi32, #tpu.memory_space<hbm>>
      %dma_start3A_466 = tpu.memref_squeeze %dma_start3A_465 : memref<1x2x120xi32, #tpu.memory_space<hbm>> -> memref<2x120xi32, #tpu.memory_space<hbm>>
      tpu.enqueue_dma source(%dma_start3A_466 : memref<2x120xi32, #tpu.memory_space<hbm>>) target(%arg10 : memref<2x120xi32, #tpu.memory_space<vmem>>) target_semaphore(%arg20 : memref<!tpu.dma_semaphore, #tpu.memory_space<semaphore_mem>>)
      %add3A_467 = arith.constant 3 : i32
      %add3A_468 = arith.addi %add3A_310, %add3A_467 : i32
      %dma_wait3A_469 = arith.constant 0 : i32
      %dma_wait3A_470 = arith.constant 0 : i32
      %dma_wait3A_471 = tpu.memref_slice %arg7[%dma_wait3A_469, %dma_wait3A_470] : memref<2x120xi32, #tpu.memory_space<vmem>> -> memref<1x120xi32, #tpu.memory_space<vmem>>
      %dma_wait3A_472 = tpu.memref_squeeze %dma_wait3A_471 : memref<1x120xi32, #tpu.memory_space<vmem>> -> memref<120xi32, #tpu.memory_space<vmem>>
      %dma_wait3A_473 = arith.constant 0 : i32
      %dma_wait3A_474 = arith.constant 0 : i32
      %dma_wait3A_475 = tpu.memref_slice %arg2[%dma_wait3A_473, %dma_wait3A_474] : memref<10000x128xf32, #tpu.memory_space<hbm>> -> memref<10000x128xf32, #tpu.memory_space<hbm>>
      tpu.wait_indirect_dma semaphore(%arg23 : memref<!tpu.dma_semaphore, #tpu.memory_space<semaphore_mem>>) src(%dma_wait3A_475 : memref<10000x128xf32, #tpu.memory_space<hbm>>) dst(%arg13 : memref<120x128xf32, #tpu.memory_space<vmem>>)
      %dma_start3A_476 = arith.constant 1 : i32
      %dma_start3A_477 = arith.constant 0 : i32
      %dma_start3A_478 = tpu.memref_slice %arg7[%dma_start3A_476, %dma_start3A_477] : memref<2x120xi32, #tpu.memory_space<vmem>> -> memref<1x120xi32, #tpu.memory_space<vmem>>
      %dma_start3A_479 = tpu.memref_squeeze %dma_start3A_478 : memref<1x120xi32, #tpu.memory_space<vmem>> -> memref<120xi32, #tpu.memory_space<vmem>>
      %dma_start3A_480 = arith.constant 0 : i32
      %dma_start3A_481 = arith.constant 0 : i32
      %dma_start3A_482 = tpu.memref_slice %arg16[%dma_start3A_480, %dma_start3A_481] : memref<10112x128xf32, #tpu.memory_space<vmem_shared>> -> memref<10112x128xf32, #tpu.memory_space<vmem_shared>>
      tpu.enqueue_indirect_dma source(%arg13 : memref<120x128xf32, #tpu.memory_space<vmem>>) target(%dma_start3A_482 : memref<10112x128xf32, #tpu.memory_space<vmem_shared>>) offsets(%dma_start3A_479 : memref<120xi32, #tpu.memory_space<vmem>>) semaphore(%arg26 : memref<!tpu.dma_semaphore, #tpu.memory_space<semaphore_mem>>) {add = true}
      %dma_wait3A_483 = arith.constant 1 : i32
      %dma_wait3A_484 = arith.constant 0 : i32
      %dma_wait3A_485 = tpu.memref_slice %arg12[%dma_wait3A_483, %dma_wait3A_484] : memref<2x120xi32, #tpu.memory_space<vmem>> -> memref<1x120xi32, #tpu.memory_space<vmem>>
      %dma_wait3A_486 = tpu.memref_squeeze %dma_wait3A_485 : memref<1x120xi32, #tpu.memory_space<vmem>> -> memref<120xi32, #tpu.memory_space<vmem>>
      %dma_wait3A_487 = arith.constant 0 : i32
      %dma_wait3A_488 = arith.constant 0 : i32
      %dma_wait3A_489 = tpu.memref_slice %arg16[%dma_wait3A_487, %dma_wait3A_488] : memref<10112x128xf32, #tpu.memory_space<vmem_shared>> -> memref<10112x128xf32, #tpu.memory_space<vmem_shared>>
      tpu.wait_indirect_dma semaphore(%arg28 : memref<!tpu.dma_semaphore, #tpu.memory_space<semaphore_mem>>) src(%arg15 : memref<120x128xf32, #tpu.memory_space<vmem>>) dst(%dma_wait3A_489 : memref<10112x128xf32, #tpu.memory_space<vmem_shared>>)
      %add3A_490 = arith.constant 2 : i32
      %add3A_491 = arith.addi %add3A_468, %add3A_490 : i32
      %add3A_492 = arith.addi %mul3A_2, %add3A_491 : i32
      %dma_wait3A_493 = arith.constant 0 : i32
      %dma_wait3A_494 = arith.constant 0 : i32
      %dma_wait3A_495 = tpu.memref_slice %arg3[%add3A_492, %dma_wait3A_493, %dma_wait3A_494] : memref<5377x2x120xi32, #tpu.memory_space<hbm>> -> memref<1x2x120xi32, #tpu.memory_space<hbm>>
      %dma_wait3A_496 = tpu.memref_squeeze %dma_wait3A_495 : memref<1x2x120xi32, #tpu.memory_space<hbm>> -> memref<2x120xi32, #tpu.memory_space<hbm>>
      %dma_wait3A_497 = arith.constant 0 : i32
      %dma_wait3A_498 = arith.constant 0 : i32
      %dma_wait3A_499 = tpu.memref_slice %arg3[%add3A_492, %dma_wait3A_497, %dma_wait3A_498] : memref<5377x2x120xi32, #tpu.memory_space<hbm>> -> memref<1x2x120xi32, #tpu.memory_space<hbm>>
      %dma_wait3A_500 = tpu.memref_squeeze %dma_wait3A_499 : memref<1x2x120xi32, #tpu.memory_space<hbm>> -> memref<2x120xi32, #tpu.memory_space<hbm>>
      tpu.wait_dma2 semaphore(%arg19 : memref<!tpu.dma_semaphore, #tpu.memory_space<semaphore_mem>>) src(%dma_wait3A_500 : memref<2x120xi32, #tpu.memory_space<hbm>>) dst(%arg9 : memref<2x120xi32, #tpu.memory_space<vmem>>)
      %dma_start3A_501 = arith.constant 0 : i32
      %dma_start3A_502 = arith.constant 0 : i32
      %dma_start3A_503 = tpu.memref_slice %arg9[%dma_start3A_501, %dma_start3A_502] : memref<2x120xi32, #tpu.memory_space<vmem>> -> memref<1x120xi32, #tpu.memory_space<vmem>>
      %dma_start3A_504 = tpu.memref_squeeze %dma_start3A_503 : memref<1x120xi32, #tpu.memory_space<vmem>> -> memref<120xi32, #tpu.memory_space<vmem>>
      %dma_start3A_505 = arith.constant 0 : i32
      %dma_start3A_506 = arith.constant 0 : i32
      %dma_start3A_507 = tpu.memref_slice %arg2[%dma_start3A_505, %dma_start3A_506] : memref<10000x128xf32, #tpu.memory_space<hbm>> -> memref<10000x128xf32, #tpu.memory_space<hbm>>
      tpu.enqueue_indirect_dma source(%dma_start3A_507 : memref<10000x128xf32, #tpu.memory_space<hbm>>) target(%arg15 : memref<120x128xf32, #tpu.memory_space<vmem>>) offsets(%dma_start3A_504 : memref<120xi32, #tpu.memory_space<vmem>>) semaphore(%arg25 : memref<!tpu.dma_semaphore, #tpu.memory_space<semaphore_mem>>)
      %add3A_508 = arith.constant 4 : i32
      %add3A_509 = arith.addi %add3A_468, %add3A_508 : i32
      %add3A_510 = arith.addi %mul3A_2, %add3A_509 : i32
      %dma_start3A_511 = arith.constant 0 : i32
      %dma_start3A_512 = arith.constant 0 : i32
      %dma_start3A_513 = tpu.memref_slice %arg3[%add3A_510, %dma_start3A_511, %dma_start3A_512] : memref<5377x2x120xi32, #tpu.memory_space<hbm>> -> memref<1x2x120xi32, #tpu.memory_space<hbm>>
      %dma_start3A_514 = tpu.memref_squeeze %dma_start3A_513 : memref<1x2x120xi32, #tpu.memory_space<hbm>> -> memref<2x120xi32, #tpu.memory_space<hbm>>
      %dma_start3A_515 = arith.constant 0 : i32
      %dma_start3A_516 = arith.constant 0 : i32
      %dma_start3A_517 = tpu.memref_slice %arg3[%add3A_510, %dma_start3A_515, %dma_start3A_516] : memref<5377x2x120xi32, #tpu.memory_space<hbm>> -> memref<1x2x120xi32, #tpu.memory_space<hbm>>
      %dma_start3A_518 = tpu.memref_squeeze %dma_start3A_517 : memref<1x2x120xi32, #tpu.memory_space<hbm>> -> memref<2x120xi32, #tpu.memory_space<hbm>>
      tpu.enqueue_dma source(%dma_start3A_518 : memref<2x120xi32, #tpu.memory_space<hbm>>) target(%arg11 : memref<2x120xi32, #tpu.memory_space<vmem>>) target_semaphore(%arg21 : memref<!tpu.dma_semaphore, #tpu.memory_space<semaphore_mem>>)
      %add3A_519 = arith.constant 4 : i32
      %add3A_520 = arith.addi %add3A_310, %add3A_519 : i32
      %dma_wait3A_521 = arith.constant 0 : i32
      %dma_wait3A_522 = arith.constant 0 : i32
      %dma_wait3A_523 = tpu.memref_slice %arg8[%dma_wait3A_521, %dma_wait3A_522] : memref<2x120xi32, #tpu.memory_space<vmem>> -> memref<1x120xi32, #tpu.memory_space<vmem>>
      %dma_wait3A_524 = tpu.memref_squeeze %dma_wait3A_523 : memref<1x120xi32, #tpu.memory_space<vmem>> -> memref<120xi32, #tpu.memory_space<vmem>>
      %dma_wait3A_525 = arith.constant 0 : i32
      %dma_wait3A_526 = arith.constant 0 : i32
      %dma_wait3A_527 = tpu.memref_slice %arg2[%dma_wait3A_525, %dma_wait3A_526] : memref<10000x128xf32, #tpu.memory_space<hbm>> -> memref<10000x128xf32, #tpu.memory_space<hbm>>
      tpu.wait_indirect_dma semaphore(%arg24 : memref<!tpu.dma_semaphore, #tpu.memory_space<semaphore_mem>>) src(%dma_wait3A_527 : memref<10000x128xf32, #tpu.memory_space<hbm>>) dst(%arg14 : memref<120x128xf32, #tpu.memory_space<vmem>>)
      %dma_start3A_528 = arith.constant 1 : i32
      %dma_start3A_529 = arith.constant 0 : i32
      %dma_start3A_530 = tpu.memref_slice %arg8[%dma_start3A_528, %dma_start3A_529] : memref<2x120xi32, #tpu.memory_space<vmem>> -> memref<1x120xi32, #tpu.memory_space<vmem>>
      %dma_start3A_531 = tpu.memref_squeeze %dma_start3A_530 : memref<1x120xi32, #tpu.memory_space<vmem>> -> memref<120xi32, #tpu.memory_space<vmem>>
      %dma_start3A_532 = arith.constant 0 : i32
      %dma_start3A_533 = arith.constant 0 : i32
      %dma_start3A_534 = tpu.memref_slice %arg16[%dma_start3A_532, %dma_start3A_533] : memref<10112x128xf32, #tpu.memory_space<vmem_shared>> -> memref<10112x128xf32, #tpu.memory_space<vmem_shared>>
      tpu.enqueue_indirect_dma source(%arg14 : memref<120x128xf32, #tpu.memory_space<vmem>>) target(%dma_start3A_534 : memref<10112x128xf32, #tpu.memory_space<vmem_shared>>) offsets(%dma_start3A_531 : memref<120xi32, #tpu.memory_space<vmem>>) semaphore(%arg27 : memref<!tpu.dma_semaphore, #tpu.memory_space<semaphore_mem>>) {add = true}
      %dma_wait3A_535 = arith.constant 1 : i32
      %dma_wait3A_536 = arith.constant 0 : i32
      %dma_wait3A_537 = tpu.memref_slice %arg7[%dma_wait3A_535, %dma_wait3A_536] : memref<2x120xi32, #tpu.memory_space<vmem>> -> memref<1x120xi32, #tpu.memory_space<vmem>>
      %dma_wait3A_538 = tpu.memref_squeeze %dma_wait3A_537 : memref<1x120xi32, #tpu.memory_space<vmem>> -> memref<120xi32, #tpu.memory_space<vmem>>
      %dma_wait3A_539 = arith.constant 0 : i32
      %dma_wait3A_540 = arith.constant 0 : i32
      %dma_wait3A_541 = tpu.memref_slice %arg16[%dma_wait3A_539, %dma_wait3A_540] : memref<10112x128xf32, #tpu.memory_space<vmem_shared>> -> memref<10112x128xf32, #tpu.memory_space<vmem_shared>>
      tpu.wait_indirect_dma semaphore(%arg26 : memref<!tpu.dma_semaphore, #tpu.memory_space<semaphore_mem>>) src(%arg13 : memref<120x128xf32, #tpu.memory_space<vmem>>) dst(%dma_wait3A_541 : memref<10112x128xf32, #tpu.memory_space<vmem_shared>>)
      %add3A_542 = arith.constant 2 : i32
      %add3A_543 = arith.addi %add3A_520, %add3A_542 : i32
      %add3A_544 = arith.addi %mul3A_2, %add3A_543 : i32
      %dma_wait3A_545 = arith.constant 0 : i32
      %dma_wait3A_546 = arith.constant 0 : i32
      %dma_wait3A_547 = tpu.memref_slice %arg3[%add3A_544, %dma_wait3A_545, %dma_wait3A_546] : memref<5377x2x120xi32, #tpu.memory_space<hbm>> -> memref<1x2x120xi32, #tpu.memory_space<hbm>>
      %dma_wait3A_548 = tpu.memref_squeeze %dma_wait3A_547 : memref<1x2x120xi32, #tpu.memory_space<hbm>> -> memref<2x120xi32, #tpu.memory_space<hbm>>
      %dma_wait3A_549 = arith.constant 0 : i32
      %dma_wait3A_550 = arith.constant 0 : i32
      %dma_wait3A_551 = tpu.memref_slice %arg3[%add3A_544, %dma_wait3A_549, %dma_wait3A_550] : memref<5377x2x120xi32, #tpu.memory_space<hbm>> -> memref<1x2x120xi32, #tpu.memory_space<hbm>>
      %dma_wait3A_552 = tpu.memref_squeeze %dma_wait3A_551 : memref<1x2x120xi32, #tpu.memory_space<hbm>> -> memref<2x120xi32, #tpu.memory_space<hbm>>
      tpu.wait_dma2 semaphore(%arg20 : memref<!tpu.dma_semaphore, #tpu.memory_space<semaphore_mem>>) src(%dma_wait3A_552 : memref<2x120xi32, #tpu.memory_space<hbm>>) dst(%arg10 : memref<2x120xi32, #tpu.memory_space<vmem>>)
      %dma_start3A_553 = arith.constant 0 : i32
      %dma_start3A_554 = arith.constant 0 : i32
      %dma_start3A_555 = tpu.memref_slice %arg10[%dma_start3A_553, %dma_start3A_554] : memref<2x120xi32, #tpu.memory_space<vmem>> -> memref<1x120xi32, #tpu.memory_space<vmem>>
      %dma_start3A_556 = tpu.memref_squeeze %dma_start3A_555 : memref<1x120xi32, #tpu.memory_space<vmem>> -> memref<120xi32, #tpu.memory_space<vmem>>
      %dma_start3A_557 = arith.constant 0 : i32
      %dma_start3A_558 = arith.constant 0 : i32
      %dma_start3A_559 = tpu.memref_slice %arg2[%dma_start3A_557, %dma_start3A_558] : memref<10000x128xf32, #tpu.memory_space<hbm>> -> memref<10000x128xf32, #tpu.memory_space<hbm>>
      tpu.enqueue_indirect_dma source(%dma_start3A_559 : memref<10000x128xf32, #tpu.memory_space<hbm>>) target(%arg13 : memref<120x128xf32, #tpu.memory_space<vmem>>) offsets(%dma_start3A_556 : memref<120xi32, #tpu.memory_space<vmem>>) semaphore(%arg23 : memref<!tpu.dma_semaphore, #tpu.memory_space<semaphore_mem>>)
      %add3A_560 = arith.constant 4 : i32
      %add3A_561 = arith.addi %add3A_520, %add3A_560 : i32
      %add3A_562 = arith.addi %mul3A_2, %add3A_561 : i32
      %dma_start3A_563 = arith.constant 0 : i32
      %dma_start3A_564 = arith.constant 0 : i32
      %dma_start3A_565 = tpu.memref_slice %arg3[%add3A_562, %dma_start3A_563, %dma_start3A_564] : memref<5377x2x120xi32, #tpu.memory_space<hbm>> -> memref<1x2x120xi32, #tpu.memory_space<hbm>>
      %dma_start3A_566 = tpu.memref_squeeze %dma_start3A_565 : memref<1x2x120xi32, #tpu.memory_space<hbm>> -> memref<2x120xi32, #tpu.memory_space<hbm>>
      %dma_start3A_567 = arith.constant 0 : i32
      %dma_start3A_568 = arith.constant 0 : i32
      %dma_start3A_569 = tpu.memref_slice %arg3[%add3A_562, %dma_start3A_567, %dma_start3A_568] : memref<5377x2x120xi32, #tpu.memory_space<hbm>> -> memref<1x2x120xi32, #tpu.memory_space<hbm>>
      %dma_start3A_570 = tpu.memref_squeeze %dma_start3A_569 : memref<1x2x120xi32, #tpu.memory_space<hbm>> -> memref<2x120xi32, #tpu.memory_space<hbm>>
      tpu.enqueue_dma source(%dma_start3A_570 : memref<2x120xi32, #tpu.memory_space<hbm>>) target(%arg12 : memref<2x120xi32, #tpu.memory_space<vmem>>) target_semaphore(%arg22 : memref<!tpu.dma_semaphore, #tpu.memory_space<semaphore_mem>>)
      %add3A_571 = arith.constant 5 : i32
      %add3A_572 = arith.addi %add3A_310, %add3A_571 : i32
      %dma_wait3A_573 = arith.constant 0 : i32
      %dma_wait3A_574 = arith.constant 0 : i32
      %dma_wait3A_575 = tpu.memref_slice %arg9[%dma_wait3A_573, %dma_wait3A_574] : memref<2x120xi32, #tpu.memory_space<vmem>> -> memref<1x120xi32, #tpu.memory_space<vmem>>
      %dma_wait3A_576 = tpu.memref_squeeze %dma_wait3A_575 : memref<1x120xi32, #tpu.memory_space<vmem>> -> memref<120xi32, #tpu.memory_space<vmem>>
      %dma_wait3A_577 = arith.constant 0 : i32
      %dma_wait3A_578 = arith.constant 0 : i32
      %dma_wait3A_579 = tpu.memref_slice %arg2[%dma_wait3A_577, %dma_wait3A_578] : memref<10000x128xf32, #tpu.memory_space<hbm>> -> memref<10000x128xf32, #tpu.memory_space<hbm>>
      tpu.wait_indirect_dma semaphore(%arg25 : memref<!tpu.dma_semaphore, #tpu.memory_space<semaphore_mem>>) src(%dma_wait3A_579 : memref<10000x128xf32, #tpu.memory_space<hbm>>) dst(%arg15 : memref<120x128xf32, #tpu.memory_space<vmem>>)
      %dma_start3A_580 = arith.constant 1 : i32
      %dma_start3A_581 = arith.constant 0 : i32
      %dma_start3A_582 = tpu.memref_slice %arg9[%dma_start3A_580, %dma_start3A_581] : memref<2x120xi32, #tpu.memory_space<vmem>> -> memref<1x120xi32, #tpu.memory_space<vmem>>
      %dma_start3A_583 = tpu.memref_squeeze %dma_start3A_582 : memref<1x120xi32, #tpu.memory_space<vmem>> -> memref<120xi32, #tpu.memory_space<vmem>>
      %dma_start3A_584 = arith.constant 0 : i32
      %dma_start3A_585 = arith.constant 0 : i32
      %dma_start3A_586 = tpu.memref_slice %arg16[%dma_start3A_584, %dma_start3A_585] : memref<10112x128xf32, #tpu.memory_space<vmem_shared>> -> memref<10112x128xf32, #tpu.memory_space<vmem_shared>>
      tpu.enqueue_indirect_dma source(%arg15 : memref<120x128xf32, #tpu.memory_space<vmem>>) target(%dma_start3A_586 : memref<10112x128xf32, #tpu.memory_space<vmem_shared>>) offsets(%dma_start3A_583 : memref<120xi32, #tpu.memory_space<vmem>>) semaphore(%arg28 : memref<!tpu.dma_semaphore, #tpu.memory_space<semaphore_mem>>) {add = true}
      %dma_wait3A_587 = arith.constant 1 : i32
      %dma_wait3A_588 = arith.constant 0 : i32
      %dma_wait3A_589 = tpu.memref_slice %arg8[%dma_wait3A_587, %dma_wait3A_588] : memref<2x120xi32, #tpu.memory_space<vmem>> -> memref<1x120xi32, #tpu.memory_space<vmem>>
      %dma_wait3A_590 = tpu.memref_squeeze %dma_wait3A_589 : memref<1x120xi32, #tpu.memory_space<vmem>> -> memref<120xi32, #tpu.memory_space<vmem>>
      %dma_wait3A_591 = arith.constant 0 : i32
      %dma_wait3A_592 = arith.constant 0 : i32
      %dma_wait3A_593 = tpu.memref_slice %arg16[%dma_wait3A_591, %dma_wait3A_592] : memref<10112x128xf32, #tpu.memory_space<vmem_shared>> -> memref<10112x128xf32, #tpu.memory_space<vmem_shared>>
      tpu.wait_indirect_dma semaphore(%arg27 : memref<!tpu.dma_semaphore, #tpu.memory_space<semaphore_mem>>) src(%arg14 : memref<120x128xf32, #tpu.memory_space<vmem>>) dst(%dma_wait3A_593 : memref<10112x128xf32, #tpu.memory_space<vmem_shared>>)
      %add3A_594 = arith.constant 2 : i32
      %add3A_595 = arith.addi %add3A_572, %add3A_594 : i32
      %add3A_596 = arith.addi %mul3A_2, %add3A_595 : i32
      %dma_wait3A_597 = arith.constant 0 : i32
      %dma_wait3A_598 = arith.constant 0 : i32
      %dma_wait3A_599 = tpu.memref_slice %arg3[%add3A_596, %dma_wait3A_597, %dma_wait3A_598] : memref<5377x2x120xi32, #tpu.memory_space<hbm>> -> memref<1x2x120xi32, #tpu.memory_space<hbm>>
      %dma_wait3A_600 = tpu.memref_squeeze %dma_wait3A_599 : memref<1x2x120xi32, #tpu.memory_space<hbm>> -> memref<2x120xi32, #tpu.memory_space<hbm>>
      %dma_wait3A_601 = arith.constant 0 : i32
      %dma_wait3A_602 = arith.constant 0 : i32
      %dma_wait3A_603 = tpu.memref_slice %arg3[%add3A_596, %dma_wait3A_601, %dma_wait3A_602] : memref<5377x2x120xi32, #tpu.memory_space<hbm>> -> memref<1x2x120xi32, #tpu.memory_space<hbm>>
      %dma_wait3A_604 = tpu.memref_squeeze %dma_wait3A_603 : memref<1x2x120xi32, #tpu.memory_space<hbm>> -> memref<2x120xi32, #tpu.memory_space<hbm>>
      tpu.wait_dma2 semaphore(%arg21 : memref<!tpu.dma_semaphore, #tpu.memory_space<semaphore_mem>>) src(%dma_wait3A_604 : memref<2x120xi32, #tpu.memory_space<hbm>>) dst(%arg11 : memref<2x120xi32, #tpu.memory_space<vmem>>)
      %dma_start3A_605 = arith.constant 0 : i32
      %dma_start3A_606 = arith.constant 0 : i32
      %dma_start3A_607 = tpu.memref_slice %arg11[%dma_start3A_605, %dma_start3A_606] : memref<2x120xi32, #tpu.memory_space<vmem>> -> memref<1x120xi32, #tpu.memory_space<vmem>>
      %dma_start3A_608 = tpu.memref_squeeze %dma_start3A_607 : memref<1x120xi32, #tpu.memory_space<vmem>> -> memref<120xi32, #tpu.memory_space<vmem>>
      %dma_start3A_609 = arith.constant 0 : i32
      %dma_start3A_610 = arith.constant 0 : i32
      %dma_start3A_611 = tpu.memref_slice %arg2[%dma_start3A_609, %dma_start3A_610] : memref<10000x128xf32, #tpu.memory_space<hbm>> -> memref<10000x128xf32, #tpu.memory_space<hbm>>
      tpu.enqueue_indirect_dma source(%dma_start3A_611 : memref<10000x128xf32, #tpu.memory_space<hbm>>) target(%arg14 : memref<120x128xf32, #tpu.memory_space<vmem>>) offsets(%dma_start3A_608 : memref<120xi32, #tpu.memory_space<vmem>>) semaphore(%arg24 : memref<!tpu.dma_semaphore, #tpu.memory_space<semaphore_mem>>)
      %add3A_612 = arith.constant 4 : i32
      %add3A_613 = arith.addi %add3A_572, %add3A_612 : i32
      %add3A_614 = arith.addi %mul3A_2, %add3A_613 : i32
      %dma_start3A_615 = arith.constant 0 : i32
      %dma_start3A_616 = arith.constant 0 : i32
      %dma_start3A_617 = tpu.memref_slice %arg3[%add3A_614, %dma_start3A_615, %dma_start3A_616] : memref<5377x2x120xi32, #tpu.memory_space<hbm>> -> memref<1x2x120xi32, #tpu.memory_space<hbm>>
      %dma_start3A_618 = tpu.memref_squeeze %dma_start3A_617 : memref<1x2x120xi32, #tpu.memory_space<hbm>> -> memref<2x120xi32, #tpu.memory_space<hbm>>
      %dma_start3A_619 = arith.constant 0 : i32
      %dma_start3A_620 = arith.constant 0 : i32
      %dma_start3A_621 = tpu.memref_slice %arg3[%add3A_614, %dma_start3A_619, %dma_start3A_620] : memref<5377x2x120xi32, #tpu.memory_space<hbm>> -> memref<1x2x120xi32, #tpu.memory_space<hbm>>
      %dma_start3A_622 = tpu.memref_squeeze %dma_start3A_621 : memref<1x2x120xi32, #tpu.memory_space<hbm>> -> memref<2x120xi32, #tpu.memory_space<hbm>>
      tpu.enqueue_dma source(%dma_start3A_622 : memref<2x120xi32, #tpu.memory_space<hbm>>) target(%arg7 : memref<2x120xi32, #tpu.memory_space<vmem>>) target_semaphore(%arg17 : memref<!tpu.dma_semaphore, #tpu.memory_space<semaphore_mem>>)
    }
    %scan3A_200 = arith.constant 27 : i32
    %dma_wait3A_201 = arith.constant 0 : i32
    %dma_wait3A_202 = arith.constant 0 : i32
    %dma_wait3A_203 = tpu.memref_slice %arg10[%dma_wait3A_201, %dma_wait3A_202] : memref<2x120xi32, #tpu.memory_space<vmem>> -> memref<1x120xi32, #tpu.memory_space<vmem>>
    %dma_wait3A_204 = tpu.memref_squeeze %dma_wait3A_203 : memref<1x120xi32, #tpu.memory_space<vmem>> -> memref<120xi32, #tpu.memory_space<vmem>>
    %dma_wait3A_205 = arith.constant 0 : i32
    %dma_wait3A_206 = arith.constant 0 : i32
    %dma_wait3A_207 = tpu.memref_slice %arg2[%dma_wait3A_205, %dma_wait3A_206] : memref<10000x128xf32, #tpu.memory_space<hbm>> -> memref<10000x128xf32, #tpu.memory_space<hbm>>
    tpu.wait_indirect_dma semaphore(%arg23 : memref<!tpu.dma_semaphore, #tpu.memory_space<semaphore_mem>>) src(%dma_wait3A_207 : memref<10000x128xf32, #tpu.memory_space<hbm>>) dst(%arg13 : memref<120x128xf32, #tpu.memory_space<vmem>>)
    %dma_start3A_208 = arith.constant 1 : i32
    %dma_start3A_209 = arith.constant 0 : i32
    %dma_start3A_210 = tpu.memref_slice %arg10[%dma_start3A_208, %dma_start3A_209] : memref<2x120xi32, #tpu.memory_space<vmem>> -> memref<1x120xi32, #tpu.memory_space<vmem>>
    %dma_start3A_211 = tpu.memref_squeeze %dma_start3A_210 : memref<1x120xi32, #tpu.memory_space<vmem>> -> memref<120xi32, #tpu.memory_space<vmem>>
    %dma_start3A_212 = arith.constant 0 : i32
    %dma_start3A_213 = arith.constant 0 : i32
    %dma_start3A_214 = tpu.memref_slice %arg16[%dma_start3A_212, %dma_start3A_213] : memref<10112x128xf32, #tpu.memory_space<vmem_shared>> -> memref<10112x128xf32, #tpu.memory_space<vmem_shared>>
    tpu.enqueue_indirect_dma source(%arg13 : memref<120x128xf32, #tpu.memory_space<vmem>>) target(%dma_start3A_214 : memref<10112x128xf32, #tpu.memory_space<vmem_shared>>) offsets(%dma_start3A_211 : memref<120xi32, #tpu.memory_space<vmem>>) semaphore(%arg26 : memref<!tpu.dma_semaphore, #tpu.memory_space<semaphore_mem>>) {add = true}
    %dma_wait3A_215 = arith.constant 1 : i32
    %dma_wait3A_216 = arith.constant 0 : i32
    %dma_wait3A_217 = tpu.memref_slice %arg9[%dma_wait3A_215, %dma_wait3A_216] : memref<2x120xi32, #tpu.memory_space<vmem>> -> memref<1x120xi32, #tpu.memory_space<vmem>>
    %dma_wait3A_218 = tpu.memref_squeeze %dma_wait3A_217 : memref<1x120xi32, #tpu.memory_space<vmem>> -> memref<120xi32, #tpu.memory_space<vmem>>
    %dma_wait3A_219 = arith.constant 0 : i32
    %dma_wait3A_220 = arith.constant 0 : i32
    %dma_wait3A_221 = tpu.memref_slice %arg16[%dma_wait3A_219, %dma_wait3A_220] : memref<10112x128xf32, #tpu.memory_space<vmem_shared>> -> memref<10112x128xf32, #tpu.memory_space<vmem_shared>>
    tpu.wait_indirect_dma semaphore(%arg28 : memref<!tpu.dma_semaphore, #tpu.memory_space<semaphore_mem>>) src(%arg15 : memref<120x128xf32, #tpu.memory_space<vmem>>) dst(%dma_wait3A_221 : memref<10112x128xf32, #tpu.memory_space<vmem_shared>>)
    %add3A_222 = arith.constant 167 : i32
    %add3A_223 = arith.addi %mul3A_2, %add3A_222 : i32
    %dma_wait3A_224 = arith.constant 0 : i32
    %dma_wait3A_225 = arith.constant 0 : i32
    %dma_wait3A_226 = tpu.memref_slice %arg3[%add3A_223, %dma_wait3A_224, %dma_wait3A_225] : memref<5377x2x120xi32, #tpu.memory_space<hbm>> -> memref<1x2x120xi32, #tpu.memory_space<hbm>>
    %dma_wait3A_227 = tpu.memref_squeeze %dma_wait3A_226 : memref<1x2x120xi32, #tpu.memory_space<hbm>> -> memref<2x120xi32, #tpu.memory_space<hbm>>
    %dma_wait3A_228 = arith.constant 0 : i32
    %dma_wait3A_229 = arith.constant 0 : i32
    %dma_wait3A_230 = tpu.memref_slice %arg3[%add3A_223, %dma_wait3A_228, %dma_wait3A_229] : memref<5377x2x120xi32, #tpu.memory_space<hbm>> -> memref<1x2x120xi32, #tpu.memory_space<hbm>>
    %dma_wait3A_231 = tpu.memref_squeeze %dma_wait3A_230 : memref<1x2x120xi32, #tpu.memory_space<hbm>> -> memref<2x120xi32, #tpu.memory_space<hbm>>
    tpu.wait_dma2 semaphore(%arg22 : memref<!tpu.dma_semaphore, #tpu.memory_space<semaphore_mem>>) src(%dma_wait3A_231 : memref<2x120xi32, #tpu.memory_space<hbm>>) dst(%arg12 : memref<2x120xi32, #tpu.memory_space<vmem>>)
    %dma_start3A_232 = arith.constant 0 : i32
    %dma_start3A_233 = arith.constant 0 : i32
    %dma_start3A_234 = tpu.memref_slice %arg12[%dma_start3A_232, %dma_start3A_233] : memref<2x120xi32, #tpu.memory_space<vmem>> -> memref<1x120xi32, #tpu.memory_space<vmem>>
    %dma_start3A_235 = tpu.memref_squeeze %dma_start3A_234 : memref<1x120xi32, #tpu.memory_space<vmem>> -> memref<120xi32, #tpu.memory_space<vmem>>
    %dma_start3A_236 = arith.constant 0 : i32
    %dma_start3A_237 = arith.constant 0 : i32
    %dma_start3A_238 = tpu.memref_slice %arg2[%dma_start3A_236, %dma_start3A_237] : memref<10000x128xf32, #tpu.memory_space<hbm>> -> memref<10000x128xf32, #tpu.memory_space<hbm>>
    tpu.enqueue_indirect_dma source(%dma_start3A_238 : memref<10000x128xf32, #tpu.memory_space<hbm>>) target(%arg15 : memref<120x128xf32, #tpu.memory_space<vmem>>) offsets(%dma_start3A_235 : memref<120xi32, #tpu.memory_space<vmem>>) semaphore(%arg25 : memref<!tpu.dma_semaphore, #tpu.memory_space<semaphore_mem>>)
    %dma_wait3A_239 = arith.constant 0 : i32
    %dma_wait3A_240 = arith.constant 0 : i32
    %dma_wait3A_241 = tpu.memref_slice %arg11[%dma_wait3A_239, %dma_wait3A_240] : memref<2x120xi32, #tpu.memory_space<vmem>> -> memref<1x120xi32, #tpu.memory_space<vmem>>
    %dma_wait3A_242 = tpu.memref_squeeze %dma_wait3A_241 : memref<1x120xi32, #tpu.memory_space<vmem>> -> memref<120xi32, #tpu.memory_space<vmem>>
    %dma_wait3A_243 = arith.constant 0 : i32
    %dma_wait3A_244 = arith.constant 0 : i32
    %dma_wait3A_245 = tpu.memref_slice %arg2[%dma_wait3A_243, %dma_wait3A_244] : memref<10000x128xf32, #tpu.memory_space<hbm>> -> memref<10000x128xf32, #tpu.memory_space<hbm>>
    tpu.wait_indirect_dma semaphore(%arg24 : memref<!tpu.dma_semaphore, #tpu.memory_space<semaphore_mem>>) src(%dma_wait3A_245 : memref<10000x128xf32, #tpu.memory_space<hbm>>) dst(%arg14 : memref<120x128xf32, #tpu.memory_space<vmem>>)
    %dma_start3A_246 = arith.constant 1 : i32
    %dma_start3A_247 = arith.constant 0 : i32
    %dma_start3A_248 = tpu.memref_slice %arg11[%dma_start3A_246, %dma_start3A_247] : memref<2x120xi32, #tpu.memory_space<vmem>> -> memref<1x120xi32, #tpu.memory_space<vmem>>
    %dma_start3A_249 = tpu.memref_squeeze %dma_start3A_248 : memref<1x120xi32, #tpu.memory_space<vmem>> -> memref<120xi32, #tpu.memory_space<vmem>>
    %dma_start3A_250 = arith.constant 0 : i32
    %dma_start3A_251 = arith.constant 0 : i32
    %dma_start3A_252 = tpu.memref_slice %arg16[%dma_start3A_250, %dma_start3A_251] : memref<10112x128xf32, #tpu.memory_space<vmem_shared>> -> memref<10112x128xf32, #tpu.memory_space<vmem_shared>>
    tpu.enqueue_indirect_dma source(%arg14 : memref<120x128xf32, #tpu.memory_space<vmem>>) target(%dma_start3A_252 : memref<10112x128xf32, #tpu.memory_space<vmem_shared>>) offsets(%dma_start3A_249 : memref<120xi32, #tpu.memory_space<vmem>>) semaphore(%arg27 : memref<!tpu.dma_semaphore, #tpu.memory_space<semaphore_mem>>) {add = true}
    %dma_wait3A_253 = arith.constant 1 : i32
    %dma_wait3A_254 = arith.constant 0 : i32
    %dma_wait3A_255 = tpu.memref_slice %arg10[%dma_wait3A_253, %dma_wait3A_254] : memref<2x120xi32, #tpu.memory_space<vmem>> -> memref<1x120xi32, #tpu.memory_space<vmem>>
    %dma_wait3A_256 = tpu.memref_squeeze %dma_wait3A_255 : memref<1x120xi32, #tpu.memory_space<vmem>> -> memref<120xi32, #tpu.memory_space<vmem>>
    %dma_wait3A_257 = arith.constant 0 : i32
    %dma_wait3A_258 = arith.constant 0 : i32
    %dma_wait3A_259 = tpu.memref_slice %arg16[%dma_wait3A_257, %dma_wait3A_258] : memref<10112x128xf32, #tpu.memory_space<vmem_shared>> -> memref<10112x128xf32, #tpu.memory_space<vmem_shared>>
    tpu.wait_indirect_dma semaphore(%arg26 : memref<!tpu.dma_semaphore, #tpu.memory_space<semaphore_mem>>) src(%arg13 : memref<120x128xf32, #tpu.memory_space<vmem>>) dst(%dma_wait3A_259 : memref<10112x128xf32, #tpu.memory_space<vmem_shared>>)
    %dma_wait3A_260 = arith.constant 0 : i32
    %dma_wait3A_261 = arith.constant 0 : i32
    %dma_wait3A_262 = tpu.memref_slice %arg12[%dma_wait3A_260, %dma_wait3A_261] : memref<2x120xi32, #tpu.memory_space<vmem>> -> memref<1x120xi32, #tpu.memory_space<vmem>>
    %dma_wait3A_263 = tpu.memref_squeeze %dma_wait3A_262 : memref<1x120xi32, #tpu.memory_space<vmem>> -> memref<120xi32, #tpu.memory_space<vmem>>
    %dma_wait3A_264 = arith.constant 0 : i32
    %dma_wait3A_265 = arith.constant 0 : i32
    %dma_wait3A_266 = tpu.memref_slice %arg2[%dma_wait3A_264, %dma_wait3A_265] : memref<10000x128xf32, #tpu.memory_space<hbm>> -> memref<10000x128xf32, #tpu.memory_space<hbm>>
    tpu.wait_indirect_dma semaphore(%arg25 : memref<!tpu.dma_semaphore, #tpu.memory_space<semaphore_mem>>) src(%dma_wait3A_266 : memref<10000x128xf32, #tpu.memory_space<hbm>>) dst(%arg15 : memref<120x128xf32, #tpu.memory_space<vmem>>)
    %dma_start3A_267 = arith.constant 1 : i32
    %dma_start3A_268 = arith.constant 0 : i32
    %dma_start3A_269 = tpu.memref_slice %arg12[%dma_start3A_267, %dma_start3A_268] : memref<2x120xi32, #tpu.memory_space<vmem>> -> memref<1x120xi32, #tpu.memory_space<vmem>>
    %dma_start3A_270 = tpu.memref_squeeze %dma_start3A_269 : memref<1x120xi32, #tpu.memory_space<vmem>> -> memref<120xi32, #tpu.memory_space<vmem>>
    %dma_start3A_271 = arith.constant 0 : i32
    %dma_start3A_272 = arith.constant 0 : i32
    %dma_start3A_273 = tpu.memref_slice %arg16[%dma_start3A_271, %dma_start3A_272] : memref<10112x128xf32, #tpu.memory_space<vmem_shared>> -> memref<10112x128xf32, #tpu.memory_space<vmem_shared>>
    tpu.enqueue_indirect_dma source(%arg15 : memref<120x128xf32, #tpu.memory_space<vmem>>) target(%dma_start3A_273 : memref<10112x128xf32, #tpu.memory_space<vmem_shared>>) offsets(%dma_start3A_270 : memref<120xi32, #tpu.memory_space<vmem>>) semaphore(%arg28 : memref<!tpu.dma_semaphore, #tpu.memory_space<semaphore_mem>>) {add = true}
    %dma_wait3A_274 = arith.constant 1 : i32
    %dma_wait3A_275 = arith.constant 0 : i32
    %dma_wait3A_276 = tpu.memref_slice %arg11[%dma_wait3A_274, %dma_wait3A_275] : memref<2x120xi32, #tpu.memory_space<vmem>> -> memref<1x120xi32, #tpu.memory_space<vmem>>
    %dma_wait3A_277 = tpu.memref_squeeze %dma_wait3A_276 : memref<1x120xi32, #tpu.memory_space<vmem>> -> memref<120xi32, #tpu.memory_space<vmem>>
    %dma_wait3A_278 = arith.constant 0 : i32
    %dma_wait3A_279 = arith.constant 0 : i32
    %dma_wait3A_280 = tpu.memref_slice %arg16[%dma_wait3A_278, %dma_wait3A_279] : memref<10112x128xf32, #tpu.memory_space<vmem_shared>> -> memref<10112x128xf32, #tpu.memory_space<vmem_shared>>
    tpu.wait_indirect_dma semaphore(%arg27 : memref<!tpu.dma_semaphore, #tpu.memory_space<semaphore_mem>>) src(%arg14 : memref<120x128xf32, #tpu.memory_space<vmem>>) dst(%dma_wait3A_280 : memref<10112x128xf32, #tpu.memory_space<vmem_shared>>)
    %dma_wait3A_281 = arith.constant 1 : i32
    %dma_wait3A_282 = arith.constant 0 : i32
    %dma_wait3A_283 = tpu.memref_slice %arg12[%dma_wait3A_281, %dma_wait3A_282] : memref<2x120xi32, #tpu.memory_space<vmem>> -> memref<1x120xi32, #tpu.memory_space<vmem>>
    %dma_wait3A_284 = tpu.memref_squeeze %dma_wait3A_283 : memref<1x120xi32, #tpu.memory_space<vmem>> -> memref<120xi32, #tpu.memory_space<vmem>>
    %dma_wait3A_285 = arith.constant 0 : i32
    %dma_wait3A_286 = arith.constant 0 : i32
    %dma_wait3A_287 = tpu.memref_slice %arg16[%dma_wait3A_285, %dma_wait3A_286] : memref<10112x128xf32, #tpu.memory_space<vmem_shared>> -> memref<10112x128xf32, #tpu.memory_space<vmem_shared>>
    tpu.wait_indirect_dma semaphore(%arg28 : memref<!tpu.dma_semaphore, #tpu.memory_space<semaphore_mem>>) src(%arg15 : memref<120x128xf32, #tpu.memory_space<vmem>>) dst(%dma_wait3A_287 : memref<10112x128xf32, #tpu.memory_space<vmem_shared>>)
    %add3A_288 = arith.constant 168 : i32
    %add3A_289 = arith.addi %mul3A_2, %add3A_288 : i32
    %dma_wait3A_290 = arith.constant 0 : i32
    %dma_wait3A_291 = arith.constant 0 : i32
    %dma_wait3A_292 = tpu.memref_slice %arg3[%add3A_289, %dma_wait3A_290, %dma_wait3A_291] : memref<5377x2x120xi32, #tpu.memory_space<hbm>> -> memref<1x2x120xi32, #tpu.memory_space<hbm>>
    %dma_wait3A_293 = tpu.memref_squeeze %dma_wait3A_292 : memref<1x2x120xi32, #tpu.memory_space<hbm>> -> memref<2x120xi32, #tpu.memory_space<hbm>>
    %dma_wait3A_294 = arith.constant 0 : i32
    %dma_wait3A_295 = arith.constant 0 : i32
    %dma_wait3A_296 = tpu.memref_slice %arg3[%add3A_289, %dma_wait3A_294, %dma_wait3A_295] : memref<5377x2x120xi32, #tpu.memory_space<hbm>> -> memref<1x2x120xi32, #tpu.memory_space<hbm>>
    %dma_wait3A_297 = tpu.memref_squeeze %dma_wait3A_296 : memref<1x2x120xi32, #tpu.memory_space<hbm>> -> memref<2x120xi32, #tpu.memory_space<hbm>>
    tpu.wait_dma2 semaphore(%arg17 : memref<!tpu.dma_semaphore, #tpu.memory_space<semaphore_mem>>) src(%dma_wait3A_297 : memref<2x120xi32, #tpu.memory_space<hbm>>) dst(%arg7 : memref<2x120xi32, #tpu.memory_space<vmem>>)
    %barrier3A_298 = arith.constant 0 : index
    tpu.barrier barrier_id(%barrier3A_298)
    %eq3A = arith.constant 0 : i32
    %eq3A_299 = arith.cmpi eq, %arg0, %eq3A : i32
    %convert_element_type3A = arith.extui %eq3A_299 : i1 to i32
    %cond3A = arith.constant 0 : i32
    %cond3A_300 = arith.cmpi ne, %convert_element_type3A, %cond3A : i32
    scf.if %cond3A_300 {
      %mul3A_306 = arith.constant 624 : i32
      %mul3A_307 = arith.muli %arg1, %mul3A_306 : i32
      %mul3A_308 = arith.constant 624 : i32
      %mul3A_309 = arith.muli %arg1, %mul3A_308 : i32
      "tpu.region"() ({
        %run_scoped3A = tpu.sem_alloc : memref<!tpu.dma_semaphore, #tpu.memory_space<semaphore_mem>>
        %dma_start3A_315 = arith.constant 0 : i32
        %dma_start3A_316 = tpu.memref_slice %arg5[%mul3A_309, %dma_start3A_315] : memref<10000x128xf32, #tpu.memory_space<hbm>> -> memref<624x128xf32, #tpu.memory_space<hbm>>
        %dma_start3A_317 = arith.constant 0 : i32
        %dma_start3A_318 = tpu.memref_slice %arg16[%mul3A_307, %dma_start3A_317] : memref<10112x128xf32, #tpu.memory_space<vmem_shared>> -> memref<624x128xf32, #tpu.memory_space<vmem_shared>>
        tpu.enqueue_dma source(%dma_start3A_318 : memref<624x128xf32, #tpu.memory_space<vmem_shared>>) target(%dma_start3A_316 : memref<624x128xf32, #tpu.memory_space<hbm>>) target_semaphore(%run_scoped3A : memref<!tpu.dma_semaphore, #tpu.memory_space<semaphore_mem>>)
        %dma_wait3A_319 = arith.constant 0 : i32
        %dma_wait3A_320 = tpu.memref_slice %arg5[%mul3A_309, %dma_wait3A_319] : memref<10000x128xf32, #tpu.memory_space<hbm>> -> memref<624x128xf32, #tpu.memory_space<hbm>>
        %dma_wait3A_321 = arith.constant 0 : i32
        %dma_wait3A_322 = tpu.memref_slice %arg16[%mul3A_307, %dma_wait3A_321] : memref<10112x128xf32, #tpu.memory_space<vmem_shared>> -> memref<624x128xf32, #tpu.memory_space<vmem_shared>>
        tpu.wait_dma2 semaphore(%run_scoped3A : memref<!tpu.dma_semaphore, #tpu.memory_space<semaphore_mem>>) src(%dma_wait3A_322 : memref<624x128xf32, #tpu.memory_space<vmem_shared>>) dst(%dma_wait3A_320 : memref<624x128xf32, #tpu.memory_space<hbm>>)
        tpu.yield
      }) : () -> ()
      %eq3A_310 = arith.constant 0 : i32
      %eq3A_311 = arith.cmpi eq, %arg1, %eq3A_310 : i32
      %convert_element_type3A_312 = arith.extui %eq3A_311 : i1 to i32
      %cond3A_313 = arith.constant 0 : i32
      %cond3A_314 = arith.cmpi ne, %convert_element_type3A_312, %cond3A_313 : i32
      scf.if %cond3A_314 {
        "tpu.region"() ({
          %run_scoped3A = tpu.sem_alloc : memref<!tpu.dma_semaphore, #tpu.memory_space<semaphore_mem>>
          %dma_start3A_315 = arith.constant 9984 : i32
          %dma_start3A_316 = arith.constant 0 : i32
          %dma_start3A_317 = tpu.memref_slice %arg5[%dma_start3A_315, %dma_start3A_316] : memref<10000x128xf32, #tpu.memory_space<hbm>> -> memref<16x128xf32, #tpu.memory_space<hbm>>
          %dma_start3A_318 = arith.constant 9984 : i32
          %dma_start3A_319 = arith.constant 0 : i32
          %dma_start3A_320 = tpu.memref_slice %arg16[%dma_start3A_318, %dma_start3A_319] : memref<10112x128xf32, #tpu.memory_space<vmem_shared>> -> memref<16x128xf32, #tpu.memory_space<vmem_shared>>
          tpu.enqueue_dma source(%dma_start3A_320 : memref<16x128xf32, #tpu.memory_space<vmem_shared>>) target(%dma_start3A_317 : memref<16x128xf32, #tpu.memory_space<hbm>>) target_semaphore(%run_scoped3A : memref<!tpu.dma_semaphore, #tpu.memory_space<semaphore_mem>>)
          %dma_wait3A_321 = arith.constant 9984 : i32
          %dma_wait3A_322 = arith.constant 0 : i32
          %dma_wait3A_323 = tpu.memref_slice %arg5[%dma_wait3A_321, %dma_wait3A_322] : memref<10000x128xf32, #tpu.memory_space<hbm>> -> memref<16x128xf32, #tpu.memory_space<hbm>>
          %dma_wait3A_324 = arith.constant 9984 : i32
          %dma_wait3A_325 = arith.constant 0 : i32
          %dma_wait3A_326 = tpu.memref_slice %arg16[%dma_wait3A_324, %dma_wait3A_325] : memref<10112x128xf32, #tpu.memory_space<vmem_shared>> -> memref<16x128xf32, #tpu.memory_space<vmem_shared>>
          tpu.wait_dma2 semaphore(%run_scoped3A : memref<!tpu.dma_semaphore, #tpu.memory_space<semaphore_mem>>) src(%dma_wait3A_326 : memref<16x128xf32, #tpu.memory_space<vmem_shared>>) dst(%dma_wait3A_323 : memref<16x128xf32, #tpu.memory_space<hbm>>)
          tpu.yield
        }) : () -> ()
      } else {
      }
    } else {
    }
    %eq3A_301 = arith.constant 1 : i32
    %eq3A_302 = arith.cmpi eq, %arg0, %eq3A_301 : i32
    %convert_element_type3A_303 = arith.extui %eq3A_302 : i1 to i32
    %cond3A_304 = arith.constant 0 : i32
    %cond3A_305 = arith.cmpi ne, %convert_element_type3A_303, %cond3A_304 : i32
    scf.if %cond3A_305 {
      %mul3A_306 = arith.constant 624 : i32
      %mul3A_307 = arith.muli %arg1, %mul3A_306 : i32
      %mul3A_308 = arith.constant 624 : i32
      %mul3A_309 = arith.muli %arg1, %mul3A_308 : i32
      "tpu.region"() ({
        %run_scoped3A = tpu.sem_alloc : memref<!tpu.dma_semaphore, #tpu.memory_space<semaphore_mem>>
        %dma_start3A_315 = arith.constant 0 : i32
        %dma_start3A_316 = tpu.memref_slice %arg6[%mul3A_309, %dma_start3A_315] : memref<10000x128xf32, #tpu.memory_space<hbm>> -> memref<624x128xf32, #tpu.memory_space<hbm>>
        %dma_start3A_317 = arith.constant 0 : i32
        %dma_start3A_318 = tpu.memref_slice %arg16[%mul3A_307, %dma_start3A_317] : memref<10112x128xf32, #tpu.memory_space<vmem_shared>> -> memref<624x128xf32, #tpu.memory_space<vmem_shared>>
        tpu.enqueue_dma source(%dma_start3A_318 : memref<624x128xf32, #tpu.memory_space<vmem_shared>>) target(%dma_start3A_316 : memref<624x128xf32, #tpu.memory_space<hbm>>) target_semaphore(%run_scoped3A : memref<!tpu.dma_semaphore, #tpu.memory_space<semaphore_mem>>)
        %dma_wait3A_319 = arith.constant 0 : i32
        %dma_wait3A_320 = tpu.memref_slice %arg6[%mul3A_309, %dma_wait3A_319] : memref<10000x128xf32, #tpu.memory_space<hbm>> -> memref<624x128xf32, #tpu.memory_space<hbm>>
        %dma_wait3A_321 = arith.constant 0 : i32
        %dma_wait3A_322 = tpu.memref_slice %arg16[%mul3A_307, %dma_wait3A_321] : memref<10112x128xf32, #tpu.memory_space<vmem_shared>> -> memref<624x128xf32, #tpu.memory_space<vmem_shared>>
        tpu.wait_dma2 semaphore(%run_scoped3A : memref<!tpu.dma_semaphore, #tpu.memory_space<semaphore_mem>>) src(%dma_wait3A_322 : memref<624x128xf32, #tpu.memory_space<vmem_shared>>) dst(%dma_wait3A_320 : memref<624x128xf32, #tpu.memory_space<hbm>>)
        tpu.yield
      }) : () -> ()
      %eq3A_310 = arith.constant 0 : i32
      %eq3A_311 = arith.cmpi eq, %arg1, %eq3A_310 : i32
      %convert_element_type3A_312 = arith.extui %eq3A_311 : i1 to i32
      %cond3A_313 = arith.constant 0 : i32
      %cond3A_314 = arith.cmpi ne, %convert_element_type3A_312, %cond3A_313 : i32
      scf.if %cond3A_314 {
        "tpu.region"() ({
          %run_scoped3A = tpu.sem_alloc : memref<!tpu.dma_semaphore, #tpu.memory_space<semaphore_mem>>
          %dma_start3A_315 = arith.constant 9984 : i32
          %dma_start3A_316 = arith.constant 0 : i32
          %dma_start3A_317 = tpu.memref_slice %arg6[%dma_start3A_315, %dma_start3A_316] : memref<10000x128xf32, #tpu.memory_space<hbm>> -> memref<16x128xf32, #tpu.memory_space<hbm>>
          %dma_start3A_318 = arith.constant 9984 : i32
          %dma_start3A_319 = arith.constant 0 : i32
          %dma_start3A_320 = tpu.memref_slice %arg16[%dma_start3A_318, %dma_start3A_319] : memref<10112x128xf32, #tpu.memory_space<vmem_shared>> -> memref<16x128xf32, #tpu.memory_space<vmem_shared>>
          tpu.enqueue_dma source(%dma_start3A_320 : memref<16x128xf32, #tpu.memory_space<vmem_shared>>) target(%dma_start3A_317 : memref<16x128xf32, #tpu.memory_space<hbm>>) target_semaphore(%run_scoped3A : memref<!tpu.dma_semaphore, #tpu.memory_space<semaphore_mem>>)
          %dma_wait3A_321 = arith.constant 9984 : i32
          %dma_wait3A_322 = arith.constant 0 : i32
          %dma_wait3A_323 = tpu.memref_slice %arg6[%dma_wait3A_321, %dma_wait3A_322] : memref<10000x128xf32, #tpu.memory_space<hbm>> -> memref<16x128xf32, #tpu.memory_space<hbm>>
          %dma_wait3A_324 = arith.constant 9984 : i32
          %dma_wait3A_325 = arith.constant 0 : i32
          %dma_wait3A_326 = tpu.memref_slice %arg16[%dma_wait3A_324, %dma_wait3A_325] : memref<10112x128xf32, #tpu.memory_space<vmem_shared>> -> memref<16x128xf32, #tpu.memory_space<vmem_shared>>
          tpu.wait_dma2 semaphore(%run_scoped3A : memref<!tpu.dma_semaphore, #tpu.memory_space<semaphore_mem>>) src(%dma_wait3A_326 : memref<16x128xf32, #tpu.memory_space<vmem_shared>>) dst(%dma_wait3A_323 : memref<16x128xf32, #tpu.memory_space<hbm>>)
          tpu.yield
        }) : () -> ()
      } else {
      }
    } else {
    }
    return
  }
}

module attributes {stable_mosaic.version = 14 : i64} {
  func.func @body(%arg0: i32, %arg1: memref<2000x128xf32, #tpu.memory_space<vmem>>, %arg2: memref<2000x128xf32, #tpu.memory_space<vmem>>, %arg3: memref<2000x128xf32, #tpu.memory_space<vmem>>, %arg4: memref<2000x128xf32, #tpu.memory_space<vmem>>) attributes {dimension_semantics = [#tpu.dimension_semantics<arbitrary>], iteration_bounds = array<i64: 5>, scalar_prefetch = 0 : i64, scratch_operands = 0 : i64, tpu.core_type = #tpu.core_type<tc>, window_params = [{transform_indices = @transform_0, window_bounds = array<i64: 2000, 128>}, {transform_indices = @transform_1, window_bounds = array<i64: 2000, 128>}, {transform_indices = @transform_2, window_bounds = array<i64: 2000, 128>}, {transform_indices = @transform_3, window_bounds = array<i64: 2000, 128>}]} {
    %get3A = arith.constant 0 : index
    %get3A_0 = arith.constant 0 : index
    %get3A_1 = vector.load %arg1[%get3A, %get3A_0] : memref<2000x128xf32, #tpu.memory_space<vmem>>, vector<2000x128xf32>
    %get3A_2 = arith.constant 0 : index
    %get3A_3 = arith.constant 0 : index
    %get3A_4 = vector.load %arg2[%get3A_2, %get3A_3] : memref<2000x128xf32, #tpu.memory_space<vmem>>, vector<2000x128xf32>
    %add3A = arith.addf %get3A_1, %get3A_4 : vector<2000x128xf32>
    %get3A_5 = arith.constant 0 : index
    %get3A_6 = arith.constant 0 : index
    %get3A_7 = vector.load %arg3[%get3A_5, %get3A_6] : memref<2000x128xf32, #tpu.memory_space<vmem>>, vector<2000x128xf32>
    %add3A_8 = arith.addf %add3A, %get3A_7 : vector<2000x128xf32>
    %swap3A = arith.constant 0 : index
    %swap3A_9 = arith.constant 0 : index
    %swap3A_10 = vector.load %arg4[%swap3A, %swap3A_9] : memref<2000x128xf32, #tpu.memory_space<vmem>>, vector<2000x128xf32>
    tpu.vector_store %arg4[%swap3A, %swap3A_9], %add3A_8 {strides = array<i32>} : memref<2000x128xf32, #tpu.memory_space<vmem>>, vector<2000x128xf32>,
    return
  }
  func.func @transform_0(%arg0: i32) -> (i32, i32) {
    %c0_i32 = arith.constant 0 : i32
    %c0_i32_0 = arith.constant 0 : i32
    return %arg0, %c0_i32 : i32, i32
  }
  func.func @transform_1(%arg0: i32) -> (i32, i32) {
    %c0_i32 = arith.constant 0 : i32
    %c0_i32_0 = arith.constant 0 : i32
    return %arg0, %c0_i32 : i32, i32
  }
  func.func @transform_2(%arg0: i32) -> (i32, i32) {
    %c0_i32 = arith.constant 0 : i32
    %c0_i32_0 = arith.constant 0 : i32
    return %arg0, %c0_i32 : i32, i32
  }
  func.func @transform_3(%arg0: i32) -> (i32, i32) {
    %c0_i32 = arith.constant 0 : i32
    %c0_i32_0 = arith.constant 0 : i32
    return %arg0, %c0_i32 : i32, i32
  }
}

</mosaic_0001>

<sc_bundles>
// kernel: kernel.4.cloned.1.call-start
scs
__scs_entry_jumppad:
0x0: {  	(pc) =	sbr.rel $0x88, $3  }
0x1: {  	(tag) =	ssettag $0x0;
	lr =	simm.s32 $0x1  }
0x2: {  	[smem:$0x3F9F] =	sst lr;
	_ =	strace $0xD0000000  }
0x3: {  	_ = 	snop  }
0x4: {  	_ = 	snop  }
0x5: {  	_ = 	snop  }
0x6: {  	_ = 	snop  }
0x7: {  	_ = 	snop  }
__scs_overlays_trampoline_lowered:
0x8: {  	[smem:$0x3FAE] =	sst s0  }
0x9: {  	[smem:$0x3FAF] =	sst s1  }
0xa: {  	[smem:$0x3FB0] =	sst s2  }
0xb: {  	[smem:$0x3FB1] =	sst s3  }
0xc: {  	[smem:$0x3FB2] =	sst s4  }
0xd: {  	[smem:$0x3FB3] =	sst s5  }
0xe: {  	[smem:$0x3FB4] =	sst s6  }
0xf: {  	[smem:$0x3FB5] =	sst s7  }
0x10: {  	[smem:$0x3FB6] =	sst s8  }
0x11: {  	[smem:$0x3FB7] =	sst s9;
	s0 =	simm.s32 @!p0 $0x0  }
0x12: {  	s1 =	sld [smem:$0x3F9D];
	s0 =	simm.s32 @p0 $0x1  }
0x13: {  	[smem:$0x3FB8] =	sst s0;
	s0 =	simm.s32 @!p1 $0x0  }
0x14: {  	s2 =	sld [smem:$0x3F9C];
	s0 =	simm.s32 @p1 $0x1  }
0x15: {  	[smem:$0x3FB9] =	sst s0;
	s0 =	simm.s32 @!p2 $0x0  }
0x16: {  	s3 =	sld [smem:$0x3FDB];
	s0 =	simm.s32 @p2 $0x1  }
0x17: {  	s4 =	simm.s32 $0x1BF5;
	[smem:$0x3FBB] =	sst s0  }
0x18: {  	s0 =	sld [smem:$0x3F9E];
	_ =	swait.ge [sflag:s4], $0x0  }
0x19: {  	s7 =	sld [smem:$0x3F9F]  }
0x1a: {  	s8 =	sadd.s32 $0xFFFFE003, lr  }
0x1b: {  	s9 =	sadd.s32 $0xFFFFFEF7, lr;
	s5 =	simm.s32 $0xFFFFFFFF;
	p2 =	slt.u32 s8, $0xFFFFF086  }
0x1c: {  	p1 =	slt.u32 s9, $0xF7A;
	s5 =	simm.s32 @!p2 $0x0  }
0x1d: {  	s5 =	simm.s32 @p1 $0x1;
	p0 =	seq.s32 s7, s2  }
0x1e: {  	s7 =	smul.u32 @!p0 $0xF7A, s2;
	p2 =	seq.s32 @!p0 s5, $0x0  }
0x1f: {  	s9 =	smul.u32 $0xF7A, s1;
	s8 =	simm.s32 @!p0 $0x1BF5;
	p2 =	por !p2, p0  }
0x20: {  	[sflag:s8] =	ssyncset.s32 @!p0 $0xFFFFF086;
	s6 =	sadd.s32 @!p0 s3, s7;
	s7 =	simm.s32 @!p0 $0x108  }
0x21: {  	s3 =	sadd.s32 s3, s9;
	s6 =	sadd.s32 @!p0 $0x88, s6;
	s7 =	simm.s32 @p2 $0x1082  }
0x22: {  	[simem:s7], [sflag:s8] =	dma.local @!p0 [hbm:s6], $0xF7A  }
0x23: {  	s9 =	sor.u32 $0xD0000000, s2;
	s6 =	simm.s32 $0x108;
	_ =	swait.ge @!p0 [sflag:s8], $0x0  }
0x24: {  	s3 =	sadd.s32 $0x88, s3;
	s6 =	simm.s32 @!p1 $0x1082;
	[sflag:s4] =	ssyncset.s32 $0xFFFFF086  }
0x25: {  	[simem:s6], [sflag:s4] =	dma.local [hbm:s3], $0xF7A  }
0x26: {  	[smem:$0x3F9F] =	sst s1;
	(tag) =	ssettag s2;
	_ =	strace s9  }
0x27: {  	s1 =	sld [smem:$0x3FAF]  }
0x28: {  	s2 =	sld [smem:$0x3FB0]  }
0x29: {  	s4 =	sld [smem:$0x3FB2]  }
0x2a: {  	p0 =	seq.s32 s5, $0x0;
	s5 =	sld [smem:$0x3FB3]  }
0x2b: {  	s6 =	sld [smem:$0x3FB4]  }
0x2c: {  	s7 =	sld [smem:$0x3FB5]  }
0x2d: {  	s3 =	simm.s32 $0x108;
	s8 =	sld [smem:$0x3FB6]  }
0x2e: {  	s3 =	simm.s32 @!p0 $0x1082;
	s9 =	sld [smem:$0x3FB7]  }
0x2f: {  	lr =	sadd.s32 s0, s3;
	s0 =	sld [smem:$0x3FAE]  }
0x30: {  	s3 =	sld [smem:$0x3FB1]  }
0x31: {  	[smem:$0x3FBA] =	sst s10  }
0x32: {  	s10 =	sld [smem:$0x3FB8];
	_ =	sdelay $0x3  }
0x33: {  	p0 =	seq.s32 s10, $0x1;
	s10 =	sld [smem:$0x3FBA];
	_ =	sdelay $0x3  }
0x34: {  	[smem:$0x3FBA] =	sst s10  }
0x35: {  	s10 =	sld [smem:$0x3FB9];
	_ =	sdelay $0x3  }
0x36: {  	p1 =	seq.s32 s10, $0x1;
	s10 =	sld [smem:$0x3FBA];
	_ =	sdelay $0x3  }
0x37: {  	[smem:$0x3FBA] =	sst s10  }
0x38: {  	s10 =	sld [smem:$0x3FBB]  }
0x39: {  	_ = 	snop;
	(pc) =	sbr.ind lr, $3  }
0x3a: {  	_ = 	snop  }
0x3b: {  	_ = 	snop  }
0x3c: {  	p2 =	seq.s32 s10, $0x1;
	s10 =	sld [smem:$0x3FBA]  }
0x3d: {  	_ =	shalt  }
0x3e: {  	_ =	shalt  }
0x3f: {  	_ =	shalt  }
0x40: {  	_ =	shalt  }
0x41: {  	_ =	shalt  }
0x42: {  	_ =	shalt  }
0x43: {  	_ =	shalt  }
0x44: {  	_ =	shalt  }
0x45: {  	_ =	shalt  }
0x46: {  	_ =	shalt  }
0x47: {  	_ =	shalt  }
0x48: {  	_ =	shalt  }
0x49: {  	_ =	shalt  }
0x4a: {  	_ =	shalt  }
0x4b: {  	_ =	shalt  }
0x4c: {  	_ =	shalt  }
0x4d: {  	_ =	shalt  }
0x4e: {  	_ =	shalt  }
0x4f: {  	_ =	shalt  }
0x50: {  	_ =	shalt  }
0x51: {  	_ =	shalt  }
0x52: {  	_ =	shalt  }
0x53: {  	_ =	shalt  }
0x54: {  	_ =	shalt  }
0x55: {  	_ =	shalt  }
0x56: {  	_ =	shalt  }
0x57: {  	_ =	shalt  }
0x58: {  	_ =	shalt  }
0x59: {  	_ =	shalt  }
0x5a: {  	_ =	shalt  }
0x5b: {  	_ =	shalt  }
0x5c: {  	_ =	shalt  }
0x5d: {  	_ =	shalt  }
0x5e: {  	_ =	shalt  }
0x5f: {  	_ =	shalt  }
0x60: {  	_ =	shalt  }
0x61: {  	_ =	shalt  }
0x62: {  	_ =	shalt  }
0x63: {  	_ =	shalt  }
0x64: {  	_ =	shalt  }
0x65: {  	_ =	shalt  }
0x66: {  	_ =	shalt  }
0x67: {  	_ =	shalt  }
0x68: {  	_ =	shalt  }
0x69: {  	_ =	shalt  }
0x6a: {  	_ =	shalt  }
0x6b: {  	_ =	shalt  }
0x6c: {  	_ =	shalt  }
0x6d: {  	_ =	shalt  }
0x6e: {  	_ =	shalt  }
0x6f: {  	_ =	shalt  }
0x70: {  	_ =	shalt  }
0x71: {  	_ =	shalt  }
0x72: {  	_ =	shalt  }
0x73: {  	_ =	shalt  }
0x74: {  	_ =	shalt  }
0x75: {  	_ =	shalt  }
0x76: {  	_ =	shalt  }
0x77: {  	_ =	shalt  }
0x78: {  	_ =	shalt  }
0x79: {  	_ =	shalt  }
0x7a: {  	_ =	shalt  }
0x7b: {  	_ =	shalt  }
0x7c: {  	_ =	shalt  }
0x7d: {  	_ =	shalt  }
0x7e: {  	_ =	shalt  }
0x7f: {  	_ =	shalt  }
0x80: {  	_ =	shalt  }
0x81: {  	_ =	shalt  }
0x82: {  	_ =	shalt  }
0x83: {  	_ =	shalt  }
0x84: {  	_ =	shalt  }
0x85: {  	_ =	shalt  }
0x86: {  	_ =	shalt  }
0x87: {  	_ =	shalt  }
.Lfunc_end0:
.L_simem_size_0:
called_computation_lowered:
.L_overlay_start_0:
0x88: {  	s2 =	sld [smem:$0x3FD9]  }
0x89: {  	s3 =	sld [smem:$0x3FFE];
	_ =	sdelay $0x1  }
0x8a: {  	s1 =	srdreg.scid  }
0x8b: {  	s0 =	sand.u32 $0x1, s1  }
0x8c: {  	s17 =	sshll.u32 s0, $0xA;
	s2 =	sadd.s32 s3, s2  }
0x8d: {  	s2 =	sadd.s32 s2, s17  }
0x8e: {  	[smem:$0x3FC6] =	sst s2  }
0x8f: {  	_ = 	snop  }
0x90: {  	s2 =	sld [smem:$0x3FC9]  }
0x91: {  	s18 =	sld [smem:$0x3FD0];
	(tm) =	ssettm $0x1  }
0x92: {  	s4 =	sld [smem:$0x3FFB];
	_ =	sdelay $0x3  }
0x93: {  	_ =	strace s4  }
0x94: {  	s4 =	sld [smem:$0x3FFC];
	_ =	sdelay $0x3  }
0x95: {  	_ =	strace s4  }
0x96: {  	s4 =	sld [smem:$0x3FFD];
	_ =	sdelay $0x3  }
0x97: {  	_ =	strace s4  }
0x98: {  	_ =	strace $0x8FFFFFFF  }
0x99: {  	s19 =	sld [smem:$0x3FDB];
	_ =	sdelay $0x1  }
0x9a: {  	s5 =	simm.s32 $_scs_section_size  }
0x9b: {  	s6 =	simm.s32 $_size__tile_overlayer_lowered;
	s7 =	simm.s32 $_tile_overlayer_lowered  }
0x9c: {  	s22 =	simm.s32 $0x1BFF;
	s21 =	sshll.u32 s7, $0x1;
	s4 =	sadd.s32 s5, s19  }
0x9d: {  	s8 =	simm.s32 $0x0;
	s20 =	sshll.u32 s6, $0x1;
	s6 =	sadd.s32 s21, s4  }
0x9e: {  	[timem:s8], [sflag:s22] =	dma.local [hbm:s6], s20  }
0x9f: {  	_ =	swait.ge [sflag:s22], s20  }
0xa0: {  	s5 =	ssub.s32 $0x0, s20;
	[sflag:s22] =	ssyncset.done $0x0  }
0xa1: {  	[sflag:s22] =	ssyncadd.s32 s5;
	_ =	sdelay $0x1  }
0xa2: {  	s23 =	simm.s32 $0x1B8B  }
0xa3: {  	_ =	swait.ge [sflag:s23], $0x1  }
0xa4: {  	[sflag:s23] =	ssyncset.done $0x0  }
0xa5: {  	s25 =	simm.s32 $0x1B8E;
	s24 =	sld [smem:$0x3FFE];
	[sflag:s23] =	ssyncadd.s32 $0xFFFFFFFF  }
0xa6: {  	s26 =	simm.s32 $execute0_lowered;
	[smem:$0x3FD2] =	sst s25  }
0xa7: {  	s6 =	sshll.u32 s26, $0x1;
	_ =	strace $0x80000046;
	[dreg:$0x1] =	wrdreg $0xFFFFFFFF  }
0xa8: {  	s28 =	simm.s32 $_size_execute0_lowered;
	s4 =	sadd.s32 s4, s6;
	[dreg:$0x0] =	wrdreg $0x0  }
0xa9: {  	s6 =	sshll.u32 s28, $0x1;
	[dreg:$0x2] =	wrdreg s4  }
0xaa: {  	[dreg:$0x3] =	wrdreg s6  }
0xab: {  	[dreg:$0x4] =	wrdreg $0xC0  }
0xac: {  	_ =	task [dreg:s8], $0x5FFFF  }
0xad: {  	[dreg:$0x1] =	wrdreg $0xFFFFFFFF  }
0xae: {  	[dreg:$0x0] =	wrdreg $0x60  }
0xaf: {  	[dreg:$0x2] =	wrdreg s2  }
0xb0: {  	[dreg:$0x3] =	wrdreg s24  }
0xb1: {  	[dreg:$0x4] =	wrdreg s18  }
0xb2: {  	[dreg:$0x5] =	wrdreg $0xBA000  }
0xb3: {  	[dreg:$0x6] =	wrdreg $0x9  }
0xb4: {  	_ =	task.clear_ibuf [dreg:s8], $0x7FFFF;
	_ =	strace $0x90000046  }
0xb5: {  	s29 =	simm.s32 $0x9;
	_ =	strace $0x80000048  }
0xb6: {  	_ =	swait.ge [sflag:s29], $0x1  }
0xb7: {  	[sflag:s29] =	ssyncadd.s32 $0xFFFFFFFF  }
0xb8: {  	_ =	strace $0x90000048  }
0xb9: {  	_ =	sfence  }
0xba: {  	s30 =	sld [smem:$0x0];
	_ =	sdelay $0x2  }
0xbb: {  	s31 =	sshll.u32 s1, $0xD;
	s1 =	sshrl.u32 s1, $0x2  }
0xbc: {  	s3 =	sand.u32 $0x4000, s31;
	s1 =	sadd.s32 s1, s30  }
0xbd: {  	s0 =	sor.u32 s3, s0;
	s1 =	sshll.u32 s1, $0x11  }
0xbe: {  	s0 =	sor.u32 s1, s0  }
0xbf: {  	s0 =	sadd.s32 $0x8F2B, s0  }
0xc0: {  	[sflag:s0] =	ssyncadd.remote.s32 $0x1  }
0xc1: {  	_ =	sfence.sel $0xFFFF  }
0xc2: {  	[dreg:$0x0] =	wrdreg $0xFFFFFFFF;
	(pc) =	sbr.abs _section_cstart, $3  }
0xc3: {  	[dreg:$0x1] =	wrdreg $0xFFFFFFFF  }
0xc4: {  	_ =	task.clear_ibuf [dreg:s8], $0x2FFFF;
	_ =	strace $0x9FFFFFFF  }
0xc5: {  	(tm) =	ssettm $0x7FFFFFFF  }
tec
execute0_lowered:
.L_overlay_start_1:
0x0: {  	(tag) =	ssettag $0x1  }
0x1: {  	s1 =	rddreg [dreg:$0x0]  }
0x2: {  	s0 =	rddreg [dreg:$0x1]  }
0x3: {  	s11 =	rddreg [dreg:$0x2]  }
0x4: {  	s3 =	rddreg [dreg:$0x3]  }
0x5: {  	s4 =	simm.s32 $0x0;
	s2 =	stileid.u32;
	s6 =	srdreg.scid  }
0x6: {  	s31 =	simm.s32 $0xD;
	s28 =	simm.s32 $0x2;
	s29 =	simm.s32 $0x4200  }
0x7: {  	s30 =	simm.s32 $0x7;
	[smem:$0x7FF] =	sst s4;
	s5 =	smul.u32 $0x2780, s2  }
0x8: {  	s7 =	sadd.s32 $0xE00, s0;
	s6 =	sand.u32 $0x1, s6;
	s10 =	smul.u32 $0x4F000, s2  }
0x9: {  	s12 =	sadd.s32 $0x52800, s0;
	s17 =	sshll.u32 s2, $0x6;
	s18 =	smul.u32 $0xA8, s2  }
0xa: {  	s25 =	smul.u32 $0x4E000, s2;
	p1 =	sne.s32 s2, $0x0;
	p2 =	seq.s32 s2, $0x0  }
0xb: {  	_ =	strace $0x80000047;
	s8 =	ssub.s32 $0x2, s6;
	s9 =	sshll.u32 s6, $0x4  }
0xc: {  	s16 =	smul.u32 $0xA80, s6;
	s20 =	sor.u32 $0x1C0D, s17;
	p0 =	seq.s32 s6, $0x1  }
0xd: {  	[dreg:$0x9] =	wrdreg s12;
	s5 =	sadd.s32 s5, s0;
	s14 =	sshrl.u32 s8, $0x1  }
0xe: {  	s9 =	sor.u32 s2, s9;
	s15 =	sshrl.u32 s10, $0x2;
	s10 =	simm.s32 $0x9  }
0xf: {  	[dreg:$0xc] =	wrdreg s20;
	s0 =	ssub.s32 s8, s14;
	s9 =	smul.u32 $0x1500, s9  }
0x10: {  	s8 =	sadd.s32 s15, s3;
	s5 =	sadd.s32 $0x2B000, s5;
	s14 =	smul.u32 $0x2700, s2  }
0x11: {  	s2 =	simm.s32 $0x7E00;
	[dreg:$0xa] =	wrdreg s5;
	s0 =	smax.u32 s0, $0x1  }
0x12: {  	s5 =	sadd.s32 s18, s16;
	s13 =	sadd.s32 s7, s9;
	[dreg:$0x16] =	wrdreg s0  }
0x13: {  	s5 =	sshll.u32 s5, $0x5;
	s17 =	sadd.s32 s11, s14;
	[dreg:$0xb] =	wrdreg s13  }
0x14: {  	s0 =	simm.s32 $0x3;
	s19 =	sadd.s32 $0x20, s13;
	[dreg:$0x14] =	wrdreg s17  }
0x15: {  	s9 =	simm.s32 $0x500;
	s21 =	sadd.s32 $0x40, s13;
	[dreg:$0xd] =	wrdreg s19  }
0x16: {  	s22 =	sadd.s32 $0x60, s13;
	s23 =	sadd.s32 $0x80, s13;
	[dreg:$0xe] =	wrdreg s21  }
0x17: {  	s24 =	sadd.s32 $0xA0, s13;
	s26 =	sadd.s32 $0xC0, s13;
	[dreg:$0xf] =	wrdreg s22  }
0x18: {  	s5 =	sadd.s32 s5, s7;
	s13 =	sshrl.u32 s25, $0x2;
	[dreg:$0x10] =	wrdreg s23  }
0x19: {  	s25 =	sshrl.u32 s8, $0x3;
	s17 =	simm.s32 $0xA;
	[dreg:$0x11] =	wrdreg s24  }
0x1a: {  	s7 =	simm.s32 $0x1;
	s8 =	simm.s32 $0x0;
	[dreg:$0x12] =	wrdreg s26  }
0x1b: {  	s15 =	sadd.s32 $0x180, s5;
	s6 =	sadd.s32 s13, s3;
	[dreg:$0x17] =	wrdreg s25  }
0x1c: {  	s16 =	sadd.s32 $0x100, s5;
	s18 =	sadd.s32 $0x140, s5;
	[dreg:$0x13] =	wrdreg s6  }
0x1d: {  	s19 =	sadd.s32 $0x138000, s3;
	s5 =	sadd.s32 $0xE0, s5;
	[dreg:$0x5] =	wrdreg s15  }
0x1e: {  	s24 =	sadd.s32 s12, s14;
	s21 =	simm.s32 $0x78;
	[dreg:$0x6] =	wrdreg s16  }
0x1f: {  	s22 =	simm.s32 $0x600;
	s23 =	simm.s32 $0x100;
	[dreg:$0x7] =	wrdreg s18  }
.Ltmp0:
0x20: {  	s25 =	simm.s32 $0x400;
	[dreg:$0x15] =	wrdreg s24;
	(pc) =	sbr.rel .LBB2_1-.Ltmp0, $4  }
0x21: {  	s12 =	simm.s32 $0xB;
	s13 =	simm.s32 $0x5;
	[dreg:$0x8] =	wrdreg s5  }
0x22: {  	s24 =	simm.s32 $0x200;
	s26 =	sshrl.u32 s19, $0x3;
	s5 =	simm.s32 $0x8  }
0x23: {  	s6 =	simm.s32 $0x4;
	s15 =	simm.s32 $0xC;
	s18 =	simm.s32 $0x6  }
0x24: {  	s19 =	simm.s32 $0x80;
	[dreg:$0x18] =	wrdreg s26;
	s26 =	simm.s32 $0x300  }
.LBB2_6:
0x25: {  	s11 =	sadd.s32 $0x27000, s16;
	s14 =	rddreg [dreg:$0x18]  }
0x26: {  	[hbm:s11], [sflag:s20] =	dma.local [spmem:s14], $0x100  }
0x27: {  	_ =	swait.ge [sflag:s31], $0x100  }
0x28: {  	[sflag:s31] =	ssyncset.done $0x0  }
0x29: {  	[sflag:s31] =	ssyncadd.s32 $0xFFFFFF00  }
.LBB2_7:
0x2a: {  	s8 =	sadd.s32 $0x1, s8;
	s11 =	rddreg [dreg:$0x16]  }
0x2b: {  	p3 =	sne.s32 s8, s11  }
.Ltmp1:
0x2c: {  	_ = 	snop;
	(pc) =	sbr.rel @!p3 .LBB2_8-.Ltmp1, $1  }
0x2d: {  	_ =	sdelay $0x3  }
.LBB2_1:
0x2e: {  	[dreg:$0x19] =	wrdreg s8  }
0x2f: {  	s11 =	rddreg [dreg:$0xa]  }
0x30: {  	s16 =	rddreg [dreg:$0x17]  }
0x31: {  	[spmem:s16], [sflag:s20] =	dma.local [hbm:s11], $0x2780  }
0x32: {  	_ =	swait.ge [sflag:s31], $0x2780  }
0x33: {  	[sflag:s31] =	ssyncset.done $0x0  }
0x34: {  	[sflag:s31] =	ssyncadd.s32 $0xFFFFD880  }
0x35: {  	[bflag:$0x0] =	sbarrier.arrive $0xFFFF  }
0x36: {  	s20 =	rddreg [dreg:$0xb]  }
0x37: {  	[tilespmem:s4], [sflag:$0xD] =	stream.linear.gather [hbm4b:s20+s4], $0x100, $0x38;
	[tilespmem:$0x1F600] =	vst v63  }
0x38: {  	_ =	swait.ge [sflag:s31], $0x100  }
0x39: {  	[sflag:s31] =	ssyncset.done $0x0  }
0x3a: {  	[sflag:s31] =	ssyncadd.s32 $0xFFFFFF00  }
0x3b: {  	[tilespmem:s22], [sflag:$0x7] =	stream.indirect.gather [hbm4b:s1+s21], $0x80, s4, s21, $0xb8;
	[tilespmem:$0x1F600] =	vst v63  }
0x3c: {  	s31 =	rddreg [dreg:$0xd]  }
0x3d: {  	[tilespmem:s23], [sflag:$0x2] =	stream.linear.gather [hbm4b:s31+s4], $0x100, $0x38;
	[tilespmem:$0x1F600] =	vst v63  }
0x3e: {  	s8 =	rddreg [dreg:$0xe]  }
0x3f: {  	[tilespmem:s24], [sflag:$0x3] =	stream.linear.gather [hbm4b:s8+s4], $0x100, $0x38;
	[tilespmem:$0x1F600] =	vst v63  }
0x40: {  	s14 =	rddreg [dreg:$0xf]  }
0x41: {  	[tilespmem:s26], [sflag:$0x4] =	stream.linear.gather [hbm4b:s14+s4], $0x100, $0x38;
	[tilespmem:$0x1F600] =	vst v63  }
0x42: {  	_ =	swait.ge [sflag:s28], $0x100  }
0x43: {  	[sflag:s28] =	ssyncset.done $0x0  }
0x44: {  	[sflag:s28] =	ssyncadd.s32 $0xFFFFFF00  }
0x45: {  	[tilespmem:s29], [sflag:$0x8] =	stream.indirect.gather [hbm4b:s1+s21], $0x80, s23, s21, $0xb8;
	[tilespmem:$0x1F600] =	vst v63  }
0x46: {  	_ =	swait.ge [sflag:s30], $0x3C00  }
0x47: {  	[sflag:s30] =	ssyncset.done $0x0  }
0x48: {  	s31 =	simm.s32 $0x80;
	[sflag:s30] =	ssyncadd.s32 $0xFFFFC400  }
0x49: {  	[spmem:s3] =	stream.indirect.scatter.add.f32 [tilespmem:s22], [sflag:$0xA], $0x80, s31, s21, $0xb8;
	[tilespmem:$0x1F600] =	vst v63  }
0x4a: {  	_ =	swait.ge [sflag:s0], $0x100  }
0x4b: {  	[sflag:s0] =	ssyncset.done $0x0  }
0x4c: {  	[sflag:s0] =	ssyncadd.s32 $0xFFFFFF00  }
0x4d: {  	[tilespmem:s2], [sflag:$0x9] =	stream.indirect.gather [hbm4b:s1+s21], $0x80, s24, s21, $0xb8;
	[tilespmem:$0x1F600] =	vst v63  }
0x4e: {  	s16 =	rddreg [dreg:$0x10]  }
0x4f: {  	[tilespmem:s25], [sflag:$0x5] =	stream.linear.gather [hbm4b:s16+s4], $0x100, $0x38;
	[tilespmem:$0x1F600] =	vst v63  }
0x50: {  	_ =	swait.ge [sflag:s5], $0x3C00  }
0x51: {  	[sflag:s5] =	ssyncset.done $0x0  }
0x52: {  	s20 =	simm.s32 $0x180;
	[sflag:s5] =	ssyncadd.s32 $0xFFFFC400  }
0x53: {  	[spmem:s3] =	stream.indirect.scatter.add.f32 [tilespmem:s29], [sflag:$0xB], $0x80, s20, s21, $0xb8;
	[tilespmem:$0x1F600] =	vst v63  }
0x54: {  	_ =	swait.ge [sflag:s17], $0x3C00  }
0x55: {  	[sflag:s17] =	ssyncset.done $0x0  }
0x56: {  	[sflag:s17] =	ssyncadd.s32 $0xFFFFC400  }
0x57: {  	_ =	swait.ge [sflag:s6], $0x100  }
0x58: {  	[sflag:s6] =	ssyncset.done $0x0  }
0x59: {  	[sflag:s6] =	ssyncadd.s32 $0xFFFFFF00  }
0x5a: {  	[tilespmem:s22], [sflag:$0x7] =	stream.indirect.gather [hbm4b:s1+s21], $0x80, s26, s21, $0xb8;
	[tilespmem:$0x1F600] =	vst v63  }
0x5b: {  	s8 =	rddreg [dreg:$0x11]  }
0x5c: {  	[tilespmem:s9], [sflag:$0x6] =	stream.linear.gather [hbm4b:s8+s4], $0x100, $0x38;
	[tilespmem:$0x1F600] =	vst v63  }
0x5d: {  	_ =	swait.ge [sflag:s10], $0x3C00  }
0x5e: {  	[sflag:s10] =	ssyncset.done $0x0  }
0x5f: {  	s11 =	simm.s32 $0x280;
	[sflag:s10] =	ssyncadd.s32 $0xFFFFC400  }
0x60: {  	[spmem:s3] =	stream.indirect.scatter.add.f32 [tilespmem:s2], [sflag:$0xC], $0x80, s11, s21, $0xb8;
	[tilespmem:$0x1F600] =	vst v63  }
0x61: {  	_ =	swait.ge [sflag:s12], $0x3C00  }
0x62: {  	[sflag:s12] =	ssyncset.done $0x0  }
0x63: {  	[sflag:s12] =	ssyncadd.s32 $0xFFFFC400  }
0x64: {  	_ =	swait.ge [sflag:s13], $0x100  }
0x65: {  	[sflag:s13] =	ssyncset.done $0x0  }
0x66: {  	[sflag:s13] =	ssyncadd.s32 $0xFFFFFF00  }
0x67: {  	[tilespmem:s29], [sflag:$0x8] =	stream.indirect.gather [hbm4b:s1+s21], $0x80, s25, s21, $0xb8;
	[tilespmem:$0x1F600] =	vst v63  }
0x68: {  	s16 =	rddreg [dreg:$0x12]  }
0x69: {  	[tilespmem:s4], [sflag:$0x1] =	stream.linear.gather [hbm4b:s16+s4], $0x100, $0x38;
	[tilespmem:$0x1F600] =	vst v63  }
0x6a: {  	_ =	swait.ge [sflag:s30], $0x3C00  }
0x6b: {  	[sflag:s30] =	ssyncset.done $0x0  }
0x6c: {  	s11 =	simm.s32 $0x380;
	[sflag:s30] =	ssyncadd.s32 $0xFFFFC400  }
0x6d: {  	[spmem:s3] =	stream.indirect.scatter.add.f32 [tilespmem:s22], [sflag:$0xA], $0x80, s11, s21, $0xb8;
	[tilespmem:$0x1F600] =	vst v63  }
0x6e: {  	_ =	swait.ge [sflag:s15], $0x3C00  }
0x6f: {  	[sflag:s15] =	ssyncset.done $0x0  }
0x70: {  	[sflag:s15] =	ssyncadd.s32 $0xFFFFC400  }
0x71: {  	_ =	swait.ge [sflag:s18], $0x100  }
0x72: {  	[sflag:s18] =	ssyncset.done $0x0  }
0x73: {  	s8 =	rddreg [dreg:$0x8];
	[sflag:s18] =	ssyncadd.s32 $0xFFFFFF00  }
0x74: {  	[tilespmem:s2], [sflag:$0x9] =	stream.indirect.gather [hbm4b:s1+s21], $0x80, s9, s21, $0xb8;
	[tilespmem:$0x1F600] =	vst v63  }
0x75: {  	s16 =	sadd.s32 $0x0, s8  }
0x76: {  	[tilespmem:s23], [sflag:$0x2] =	stream.linear.gather [hbm4b:s16+s4], $0x100, $0x38;
	[tilespmem:$0x1F600] =	vst v63  }
0x77: {  	_ =	swait.ge [sflag:s5], $0x3C00  }
0x78: {  	[sflag:s5] =	ssyncset.done $0x0  }
0x79: {  	s14 =	simm.s32 $0x480;
	[sflag:s5] =	ssyncadd.s32 $0xFFFFC400  }
0x7a: {  	[spmem:s3] =	stream.indirect.scatter.add.f32 [tilespmem:s29], [sflag:$0xB], $0x80, s14, s21, $0xb8;
	[tilespmem:$0x1F600] =	vst v63  }
0x7b: {  	_ =	swait.ge [sflag:s17], $0x3C00  }
0x7c: {  	[sflag:s17] =	ssyncset.done $0x0  }
0x7d: {  	[sflag:s17] =	ssyncadd.s32 $0xFFFFC400  }
0x7e: {  	_ =	swait.ge [sflag:s7], $0x100  }
0x7f: {  	[sflag:s7] =	ssyncset.done $0x0  }
0x80: {  	s14 =	rddreg [dreg:$0x6];
	[sflag:s7] =	ssyncadd.s32 $0xFFFFFF00  }
0x81: {  	[tilespmem:s22], [sflag:$0x7] =	stream.indirect.gather [hbm4b:s1+s21], $0x80, s4, s21, $0xb8;
	[tilespmem:$0x1F600] =	vst v63  }
0x82: {  	s16 =	sadd.s32 $0x0, s14  }
0x83: {  	[tilespmem:s24], [sflag:$0x3] =	stream.linear.gather [hbm4b:s16+s4], $0x100, $0x38;
	[tilespmem:$0x1F600] =	vst v63  }
0x84: {  	_ =	swait.ge [sflag:s10], $0x3C00  }
0x85: {  	[sflag:s10] =	ssyncset.done $0x0  }
0x86: {  	s20 =	simm.s32 $0x580;
	[sflag:s10] =	ssyncadd.s32 $0xFFFFC400  }
0x87: {  	[spmem:s3] =	stream.indirect.scatter.add.f32 [tilespmem:s2], [sflag:$0xC], $0x80, s20, s21, $0xb8;
	[tilespmem:$0x1F600] =	vst v63  }
0x88: {  	_ =	swait.ge [sflag:s12], $0x3C00  }
0x89: {  	[sflag:s12] =	ssyncset.done $0x0  }
0x8a: {  	[sflag:s12] =	ssyncadd.s32 $0xFFFFC400  }
0x8b: {  	_ =	swait.ge [sflag:s28], $0x100  }
0x8c: {  	[sflag:s28] =	ssyncset.done $0x0  }
0x8d: {  	[sflag:s28] =	ssyncadd.s32 $0xFFFFFF00  }
0x8e: {  	[tilespmem:s29], [sflag:$0x8] =	stream.indirect.gather [hbm4b:s1+s21], $0x80, s23, s21, $0xb8;
	[tilespmem:$0x1F600] =	vst v63  }
0x8f: {  	s8 =	sadd.s32 $0x20, s16  }
0x90: {  	[tilespmem:s26], [sflag:$0x4] =	stream.linear.gather [hbm4b:s8+s4], $0x100, $0x38;
	[tilespmem:$0x1F600] =	vst v63  }
0x91: {  	_ =	swait.ge [sflag:s30], $0x3C00  }
0x92: {  	[sflag:s30] =	ssyncset.done $0x0  }
0x93: {  	[sflag:s30] =	ssyncadd.s32 $0xFFFFC400  }
0x94: {  	[spmem:s3] =	stream.indirect.scatter.add.f32 [tilespmem:s22], [sflag:$0xA], $0x80, s31, s21, $0xb8;
	[tilespmem:$0x1F600] =	vst v63  }
0x95: {  	_ =	swait.ge [sflag:s15], $0x3C00  }
0x96: {  	[sflag:s15] =	ssyncset.done $0x0  }
0x97: {  	[sflag:s15] =	ssyncadd.s32 $0xFFFFC400  }
0x98: {  	_ =	swait.ge [sflag:s0], $0x100  }
0x99: {  	[sflag:s0] =	ssyncset.done $0x0  }
0x9a: {  	s14 =	rddreg [dreg:$0x7];
	[sflag:s0] =	ssyncadd.s32 $0xFFFFFF00  }
0x9b: {  	[tilespmem:s2], [sflag:$0x9] =	stream.indirect.gather [hbm4b:s1+s21], $0x80, s24, s21, $0xb8;
	[tilespmem:$0x1F600] =	vst v63  }
0x9c: {  	s20 =	sadd.s32 $0x0, s14  }
0x9d: {  	[tilespmem:s25], [sflag:$0x5] =	stream.linear.gather [hbm4b:s20+s4], $0x100, $0x38;
	[tilespmem:$0x1F600] =	vst v63  }
0x9e: {  	_ =	swait.ge [sflag:s5], $0x3C00  }
0x9f: {  	[sflag:s5] =	ssyncset.done $0x0  }
0xa0: {  	s31 =	simm.s32 $0x180;
	[sflag:s5] =	ssyncadd.s32 $0xFFFFC400  }
0xa1: {  	[spmem:s3] =	stream.indirect.scatter.add.f32 [tilespmem:s29], [sflag:$0xB], $0x80, s31, s21, $0xb8;
	[tilespmem:$0x1F600] =	vst v63  }
0xa2: {  	_ =	swait.ge [sflag:s17], $0x3C00  }
0xa3: {  	[sflag:s17] =	ssyncset.done $0x0  }
0xa4: {  	[sflag:s17] =	ssyncadd.s32 $0xFFFFC400  }
0xa5: {  	_ =	swait.ge [sflag:s6], $0x100  }
0xa6: {  	[sflag:s6] =	ssyncset.done $0x0  }
0xa7: {  	[sflag:s6] =	ssyncadd.s32 $0xFFFFFF00  }
0xa8: {  	[tilespmem:s22], [sflag:$0x7] =	stream.indirect.gather [hbm4b:s1+s21], $0x80, s26, s21, $0xb8;
	[tilespmem:$0x1F600] =	vst v63  }
0xa9: {  	s16 =	sadd.s32 $0x60, s16  }
0xaa: {  	[tilespmem:s9], [sflag:$0x6] =	stream.linear.gather [hbm4b:s16+s4], $0x100, $0x38;
	[tilespmem:$0x1F600] =	vst v63  }
0xab: {  	_ =	swait.ge [sflag:s10], $0x3C00  }
0xac: {  	[sflag:s10] =	ssyncset.done $0x0  }
0xad: {  	s20 =	simm.s32 $0x280;
	[sflag:s10] =	ssyncadd.s32 $0xFFFFC400  }
0xae: {  	[spmem:s3] =	stream.indirect.scatter.add.f32 [tilespmem:s2], [sflag:$0xC], $0x80, s20, s21, $0xb8;
	[tilespmem:$0x1F600] =	vst v63  }
0xaf: {  	_ =	swait.ge [sflag:s12], $0x3C00  }
0xb0: {  	[sflag:s12] =	ssyncset.done $0x0  }
0xb1: {  	[sflag:s12] =	ssyncadd.s32 $0xFFFFC400  }
0xb2: {  	s8 =	simm.s32 $0x180;
	_ =	swait.ge [sflag:s13], $0x100  }
0xb3: {  	s14 =	simm.s32 $0x280;
	[sflag:s13] =	ssyncset.done $0x0;
	s31 =	rddreg [dreg:$0x5]  }
0xb4: {  	s20 =	simm.s32 $0xC0;
	[sflag:s13] =	ssyncadd.s32 $0xFFFFFF00;
	s16 =	sadd.s32 $0x0, s31  }
0xb5: {  	[tilespmem:s29], [sflag:$0x8] =	stream.indirect.gather [hbm4b:s1+s21], $0x80, s25, s21, $0xb8;
	[tilespmem:$0x1F600] =	vst v63  }
.LBB2_2:
0xb6: {  	[tilespmem:s4], [sflag:$0x1] =	stream.linear.gather [hbm4b:s16+s4], $0x100, $0x38;
	[tilespmem:$0x1F600] =	vst v63  }
0xb7: {  	_ =	swait.ge [sflag:s30], $0x3C00  }
0xb8: {  	[sflag:s30] =	ssyncset.done $0x0  }
0xb9: {  	[sflag:s30] =	ssyncadd.s32 $0xFFFFC400  }
0xba: {  	[spmem:s3] =	stream.indirect.scatter.add.f32 [tilespmem:s22], [sflag:$0xA], $0x80, s11, s21, $0xb8;
	[tilespmem:$0x1F600] =	vst v63  }
0xbb: {  	_ =	swait.ge [sflag:s15], $0x3C00  }
0xbc: {  	[sflag:s15] =	ssyncset.done $0x0  }
0xbd: {  	[sflag:s15] =	ssyncadd.s32 $0xFFFFC400  }
0xbe: {  	_ =	swait.ge [sflag:s18], $0x100  }
0xbf: {  	[sflag:s18] =	ssyncset.done $0x0  }
0xc0: {  	s31 =	smov.u32 s20;
	s11 =	rddreg [dreg:$0x8];
	[sflag:s18] =	ssyncadd.s32 $0xFFFFFF00  }
0xc1: {  	[tilespmem:s2], [sflag:$0x9] =	stream.indirect.gather [hbm4b:s1+s21], $0x80, s9, s21, $0xb8;
	[tilespmem:$0x1F600] =	vst v63  }
0xc2: {  	s16 =	sadd.s32 s31, s11  }
0xc3: {  	[tilespmem:s23], [sflag:$0x2] =	stream.linear.gather [hbm4b:s16+s4], $0x100, $0x38;
	[tilespmem:$0x1F600] =	vst v63  }
0xc4: {  	_ =	swait.ge [sflag:s5], $0x3C00  }
0xc5: {  	[sflag:s5] =	ssyncset.done $0x0  }
0xc6: {  	s16 =	simm.s32 $0x480;
	[sflag:s5] =	ssyncadd.s32 $0xFFFFC400  }
0xc7: {  	[spmem:s3] =	stream.indirect.scatter.add.f32 [tilespmem:s29], [sflag:$0xB], $0x80, s16, s21, $0xb8;
	[tilespmem:$0x1F600] =	vst v63  }
0xc8: {  	_ =	swait.ge [sflag:s17], $0x3C00  }
0xc9: {  	[sflag:s17] =	ssyncset.done $0x0  }
0xca: {  	[sflag:s17] =	ssyncadd.s32 $0xFFFFC400  }
0xcb: {  	_ =	swait.ge [sflag:s7], $0x100  }
0xcc: {  	[sflag:s7] =	ssyncset.done $0x0  }
0xcd: {  	s11 =	rddreg [dreg:$0x6];
	[sflag:s7] =	ssyncadd.s32 $0xFFFFFF00  }
0xce: {  	[tilespmem:s22], [sflag:$0x7] =	stream.indirect.gather [hbm4b:s1+s21], $0x80, s4, s21, $0xb8;
	[tilespmem:$0x1F600] =	vst v63  }
0xcf: {  	s16 =	sadd.s32 s31, s11  }
0xd0: {  	[tilespmem:s24], [sflag:$0x3] =	stream.linear.gather [hbm4b:s16+s4], $0x100, $0x38;
	[tilespmem:$0x1F600] =	vst v63  }
0xd1: {  	_ =	swait.ge [sflag:s10], $0x3C00  }
0xd2: {  	[sflag:s10] =	ssyncset.done $0x0  }
0xd3: {  	s11 =	simm.s32 $0x580;
	[sflag:s10] =	ssyncadd.s32 $0xFFFFC400  }
0xd4: {  	[spmem:s3] =	stream.indirect.scatter.add.f32 [tilespmem:s2], [sflag:$0xC], $0x80, s11, s21, $0xb8;
	[tilespmem:$0x1F600] =	vst v63  }
0xd5: {  	_ =	swait.ge [sflag:s12], $0x3C00  }
0xd6: {  	[sflag:s12] =	ssyncset.done $0x0  }
0xd7: {  	[sflag:s12] =	ssyncadd.s32 $0xFFFFC400  }
0xd8: {  	_ =	swait.ge [sflag:s28], $0x100  }
0xd9: {  	[sflag:s28] =	ssyncset.done $0x0  }
0xda: {  	[sflag:s28] =	ssyncadd.s32 $0xFFFFFF00  }
0xdb: {  	[tilespmem:s29], [sflag:$0x8] =	stream.indirect.gather [hbm4b:s1+s21], $0x80, s23, s21, $0xb8;
	[tilespmem:$0x1F600] =	vst v63  }
0xdc: {  	s11 =	sadd.s32 $0x20, s16  }
0xdd: {  	[tilespmem:s26], [sflag:$0x4] =	stream.linear.gather [hbm4b:s11+s4], $0x100, $0x38;
	[tilespmem:$0x1F600] =	vst v63  }
0xde: {  	_ =	swait.ge [sflag:s30], $0x3C00  }
0xdf: {  	[sflag:s30] =	ssyncset.done $0x0  }
0xe0: {  	[sflag:s30] =	ssyncadd.s32 $0xFFFFC400  }
0xe1: {  	[spmem:s3] =	stream.indirect.scatter.add.f32 [tilespmem:s22], [sflag:$0xA], $0x80, s19, s21, $0xb8;
	[tilespmem:$0x1F600] =	vst v63  }
0xe2: {  	_ =	swait.ge [sflag:s15], $0x3C00  }
0xe3: {  	[sflag:s15] =	ssyncset.done $0x0  }
0xe4: {  	[sflag:s15] =	ssyncadd.s32 $0xFFFFC400  }
0xe5: {  	_ =	swait.ge [sflag:s0], $0x100  }
0xe6: {  	[sflag:s0] =	ssyncset.done $0x0  }
0xe7: {  	s11 =	rddreg [dreg:$0x7];
	[sflag:s0] =	ssyncadd.s32 $0xFFFFFF00  }
0xe8: {  	[tilespmem:s2], [sflag:$0x9] =	stream.indirect.gather [hbm4b:s1+s21], $0x80, s24, s21, $0xb8;
	[tilespmem:$0x1F600] =	vst v63  }
0xe9: {  	s11 =	sadd.s32 s31, s11  }
0xea: {  	[tilespmem:s25], [sflag:$0x5] =	stream.linear.gather [hbm4b:s11+s4], $0x100, $0x38;
	[tilespmem:$0x1F600] =	vst v63  }
0xeb: {  	_ =	swait.ge [sflag:s5], $0x3C00  }
0xec: {  	[sflag:s5] =	ssyncset.done $0x0  }
0xed: {  	[sflag:s5] =	ssyncadd.s32 $0xFFFFC400  }
0xee: {  	[spmem:s3] =	stream.indirect.scatter.add.f32 [tilespmem:s29], [sflag:$0xB], $0x80, s8, s21, $0xb8;
	[tilespmem:$0x1F600] =	vst v63  }
0xef: {  	_ =	swait.ge [sflag:s17], $0x3C00  }
0xf0: {  	[sflag:s17] =	ssyncset.done $0x0  }
0xf1: {  	[sflag:s17] =	ssyncadd.s32 $0xFFFFC400  }
0xf2: {  	_ =	swait.ge [sflag:s6], $0x100  }
0xf3: {  	[sflag:s6] =	ssyncset.done $0x0  }
0xf4: {  	[sflag:s6] =	ssyncadd.s32 $0xFFFFFF00  }
0xf5: {  	[tilespmem:s22], [sflag:$0x7] =	stream.indirect.gather [hbm4b:s1+s21], $0x80, s26, s21, $0xb8;
	[tilespmem:$0x1F600] =	vst v63  }
0xf6: {  	s16 =	sadd.s32 $0x60, s16  }
0xf7: {  	[tilespmem:s9], [sflag:$0x6] =	stream.linear.gather [hbm4b:s16+s4], $0x100, $0x38;
	[tilespmem:$0x1F600] =	vst v63  }
0xf8: {  	_ =	swait.ge [sflag:s10], $0x3C00  }
0xf9: {  	[sflag:s10] =	ssyncset.done $0x0  }
0xfa: {  	[sflag:s10] =	ssyncadd.s32 $0xFFFFC400  }
0xfb: {  	[spmem:s3] =	stream.indirect.scatter.add.f32 [tilespmem:s2], [sflag:$0xC], $0x80, s14, s21, $0xb8;
	[tilespmem:$0x1F600] =	vst v63  }
0xfc: {  	_ =	swait.ge [sflag:s12], $0x3C00  }
0xfd: {  	p3 =	sne.s32 s20, $0x1380;
	[sflag:s12] =	ssyncset.done $0x0  }
.Ltmp2:
0xfe: {  	[sflag:s12] =	ssyncadd.s32 $0xFFFFC400;
	(pc) =	sbr.rel @p3 .LBB2_2-.Ltmp2, $4  }
0xff: {  	_ =	swait.ge [sflag:s13], $0x100  }
0x100: {  	s20 =	sadd.s32 $0xC0, s20;
	[sflag:s13] =	ssyncset.done $0x0;
	s16 =	rddreg [dreg:$0x5]  }
0x101: {  	s11 =	simm.s32 $0x380;
	[sflag:s13] =	ssyncadd.s32 $0xFFFFFF00;
	s16 =	sadd.s32 s31, s16  }
0x102: {  	[tilespmem:s29], [sflag:$0x8] =	stream.indirect.gather [hbm4b:s1+s21], $0x80, s25, s21, $0xb8;
	[tilespmem:$0x1F600] =	vst v63  }
0x103: {  	[tilespmem:s4], [sflag:$0x1] =	stream.linear.gather [hbm4b:s16+s4], $0x100, $0x38;
	[tilespmem:$0x1F600] =	vst v63  }
0x104: {  	_ =	swait.ge [sflag:s30], $0x3C00  }
0x105: {  	[sflag:s30] =	ssyncset.done $0x0  }
0x106: {  	[sflag:s30] =	ssyncadd.s32 $0xFFFFC400  }
0x107: {  	[spmem:s3] =	stream.indirect.scatter.add.f32 [tilespmem:s22], [sflag:$0xA], $0x80, s11, s21, $0xb8;
	[tilespmem:$0x1F600] =	vst v63  }
0x108: {  	_ =	swait.ge [sflag:s15], $0x3C00  }
0x109: {  	[sflag:s15] =	ssyncset.done $0x0  }
0x10a: {  	[sflag:s15] =	ssyncadd.s32 $0xFFFFC400  }
0x10b: {  	_ =	swait.ge [sflag:s18], $0x100  }
0x10c: {  	[sflag:s18] =	ssyncset.done $0x0  }
0x10d: {  	[sflag:s18] =	ssyncadd.s32 $0xFFFFFF00  }
0x10e: {  	[tilespmem:s2], [sflag:$0x9] =	stream.indirect.gather [hbm4b:s1+s21], $0x80, s9, s21, $0xb8;
	[tilespmem:$0x1F600] =	vst v63  }
0x10f: {  	_ =	swait.ge [sflag:s5], $0x3C00  }
0x110: {  	[sflag:s5] =	ssyncset.done $0x0  }
0x111: {  	s8 =	simm.s32 $0x480;
	[sflag:s5] =	ssyncadd.s32 $0xFFFFC400  }
0x112: {  	[spmem:s3] =	stream.indirect.scatter.add.f32 [tilespmem:s29], [sflag:$0xB], $0x80, s8, s21, $0xb8;
	[tilespmem:$0x1F600] =	vst v63  }
0x113: {  	_ =	swait.ge [sflag:s17], $0x3C00  }
0x114: {  	[sflag:s17] =	ssyncset.done $0x0  }
0x115: {  	[sflag:s17] =	ssyncadd.s32 $0xFFFFC400  }
0x116: {  	_ =	swait.ge [sflag:s10], $0x3C00  }
0x117: {  	[sflag:s10] =	ssyncset.done $0x0  }
0x118: {  	s20 =	simm.s32 $0x580;
	[sflag:s10] =	ssyncadd.s32 $0xFFFFC400  }
0x119: {  	[spmem:s3] =	stream.indirect.scatter.add.f32 [tilespmem:s2], [sflag:$0xC], $0x80, s20, s21, $0xb8;
	[tilespmem:$0x1F600] =	vst v63  }
0x11a: {  	_ =	swait.ge [sflag:s12], $0x3C00  }
0x11b: {  	[sflag:s12] =	ssyncset.done $0x0  }
0x11c: {  	[sflag:s12] =	ssyncadd.s32 $0xFFFFC400  }
0x11d: {  	_ =	swait.ge [sflag:s15], $0x3C00  }
0x11e: {  	[sflag:s15] =	ssyncset.done $0x0  }
0x11f: {  	[sflag:s15] =	ssyncadd.s32 $0xFFFFC400  }
0x120: {  	_ =	swait.ge [sflag:s7], $0x100  }
.Ltmp3:
0x121: {  	[sflag:s7] =	ssyncset.done $0x0;
	(pc) =	sbr.rel @!p0 .LBB2_4-.Ltmp3, $4  }
0x122: {  	[sflag:s7] =	ssyncadd.s32 $0xFFFFFF00  }
0x123: {  	[bflag:$0x0] =	sbarrier.arrive $0xFFFF  }
0x124: {  	s31 =	rddreg [dreg:$0x13]  }
0x125: {  	s16 =	sshrl.u32 s31, $0x3  }
0x126: {  	s20 =	rddreg [dreg:$0xc]  }
0x127: {  	s11 =	rddreg [dreg:$0x15]  }
0x128: {  	[hbm:s11], [sflag:s20] =	dma.local [spmem:s16], $0x2700  }
.Ltmp4:
0x129: {  	_ = 	snop;
	(pc) =	sbr.rel @p1 .LBB2_7-.Ltmp4, $4  }
.Ltmp5:
0x12a: {  	s31 =	simm.s32 $0xD;
	(pc) =	sbr.rel @!p1 .LBB2_6-.Ltmp5, $4  }
0x12b: {  	_ =	swait.ge [sflag:s31], $0x2700  }
0x12c: {  	[sflag:s31] =	ssyncset.done $0x0;
	s16 =	rddreg [dreg:$0x9]  }
0x12d: {  	s8 =	rddreg [dreg:$0x19];
	[sflag:s31] =	ssyncadd.s32 $0xFFFFD900  }
0x12e: {  	_ = 	snop  }
.LBB2_4:
0x12f: {  	s20 =	rddreg [dreg:$0xc]  }
0x130: {  	s11 =	rddreg [dreg:$0x14]  }
0x131: {  	[hbm:s11], [sflag:s20] =	dma.local [spmem:s16], $0x2700  }
.Ltmp6:
0x132: {  	s31 =	simm.s32 $0xD;
	(pc) =	sbr.rel @!p2 .LBB2_7-.Ltmp6, $4  }
.Ltmp7:
0x133: {  	_ =	swait.ge [sflag:s31], $0x2700;
	(pc) =	sbr.rel @p2 .LBB2_6-.Ltmp7, $4  }
0x134: {  	[sflag:s31] =	ssyncset.done $0x0  }
0x135: {  	s8 =	rddreg [dreg:$0x19];
	[sflag:s31] =	ssyncadd.s32 $0xFFFFD900  }
0x136: {  	s16 =	rddreg [dreg:$0x2]  }
0x137: {  	_ = 	snop  }
.LBB2_8:
0x138: {  	_ =	sfence.sel $0x180000  }
0x139: {  	[bflag:$0x0] =	sbarrier.arrive $0xFFFF  }
0x13a: {  	_ =	strace $0x90000047  }
0x13b: {  	[bflag:$0x2] =	sbarrier.arrive $0xFFFF  }
0x13c: {  	s0 =	rddreg [dreg:$0x4]  }
0x13d: {  	s0 =	sadd.s32 @!p1 $0x100000, s0  }
0x13e: {  	[sflag:s0] =	ssyncadd.tile.s32 @!p1 $0x1;
	_ =	shalt  }
.Lfunc_end2:
_tile_overlayer_lowered:
.L_overlay_start_2:
0x13f: {  	(tag) =	ssettag $0x2  }
0x140: {  	s0 =	rddreg [dreg:$0x0];
	s2 =	stileid.u32  }
0x141: {  	s1 =	rddreg [dreg:$0x1];
	p0 =	sne.s32 s2, $0x0  }
0x142: {  	s3 =	rddreg [dreg:$0x2];
	[bflag:$0x3] =	sbarrier.arrive $0xFFFF;
	s2 =	simm.s32 @!p0 $0x1C0D  }
0x143: {  	[timem:s3], [sflag:s2] =	dma.local @!p0 [hbm:s0], s1  }
0x144: {  	s0 =	simm.s32 @!p0 $0xD  }
0x145: {  	_ =	swait.ge @!p0 [sflag:s0], s1  }
0x146: {  	s1 =	ssub.s32 @!p0 $0x0, s1;
	[sflag:s0] =	ssyncset.done @!p0 $0x0  }
0x147: {  	[sflag:s0] =	ssyncadd.s32 @!p0 s1  }
0x148: {  	[bflag:$0x3] =	sbarrier.arrive $0xFFFF  }
0x149: {  	_ =	shalt  }

</sc_bundles>
